<compile_context>
chip_gen: v7x
topology: tpu7x:2x2x1
jax: 0.10.2.dev20260603
libtpu: 0.0.44.dev20260713+nightly
codegen_flags: <defaults>
</compile_context>

<pallas_src>
import jax
import jax.numpy as jnp
from jax import lax
from jax.experimental import pallas as pl
from jax.experimental.pallas import tpu as pltpu
from jax.experimental.pallas import tpu_sc as plsc

N_NODES = 10000
N_EDGES = 320000
NFEAT = 128
NHID = 128
NCLASS = 64

NC = 2
NS = 16
NW = NC * NS

N_PAD = 10240
ROWS_PER_TILE = N_PAD // NS
E_PAD = 327680
EDGES_PER_W = E_PAD // NW
KBODY = 8


def _make_agg(d_feat: int, blk: int, with_deg: bool):
    mesh = plsc.VectorSubcoreMesh(core_axis_name="c", subcore_axis_name="s")

    blocks = EDGES_PER_W // blk
    assert blocks % KBODY == 0
    nbuf = 2
    out_type = [jax.ShapeDtypeStruct((NC, N_NODES, d_feat), jnp.float32)]
    scratch = [
        pltpu.VMEM((blocks, blk), jnp.int32),
        pltpu.VMEM((blocks, blk), jnp.int32),
        [pltpu.VMEM((blk, d_feat), jnp.float32) for _ in range(nbuf)],
        [pltpu.SemaphoreType.DMA for _ in range(nbuf)],
        [pltpu.SemaphoreType.DMA for _ in range(nbuf)],
        pltpu.VMEM_SHARED((N_PAD, d_feat), jnp.float32),
    ]
    if with_deg:
        out_type.append(jax.ShapeDtypeStruct((NW, N_PAD), jnp.float32))
        scratch.append(pltpu.VMEM((N_PAD,), jnp.float32))

    def body(feat_hbm, src_hbm, dst_hbm, zeros_hbm, *rest):
        if with_deg:
            (zerosn_hbm, part_hbm, degh_hbm,
             src_v, dst_v, rows, gsem, ssem, acc_sh, hist_v) = rest
        else:
            part_hbm, src_v, dst_v, rows, gsem, ssem, acc_sh = rest
        c = lax.axis_index("c")
        s = lax.axis_index("s")
        w = c * NS + s

        pltpu.sync_copy(zeros_hbm,
                        acc_sh.at[pl.ds(s * ROWS_PER_TILE, ROWS_PER_TILE)])
        pltpu.sync_copy(src_hbm.at[w], src_v)
        pltpu.sync_copy(dst_hbm.at[w], dst_v)
        if with_deg:
            pltpu.sync_copy(zerosn_hbm, hist_v)
        plsc.subcore_barrier()

        ones16 = jnp.full((16,), 1.0, jnp.float32)

        def hist_upd(i):
            if with_deg:
                for j in range(blk // 16):
                    dv = dst_v[i, pl.ds(j * 16, 16)]
                    plsc.addupdate_scatter(hist_v, [dv], ones16)

        def gather(i, b):
            return pltpu.async_copy(feat_hbm.at[src_v.at[i]], rows[b], gsem[b])

        def scatter(i, b):
            return pltpu.async_copy(rows[b], acc_sh.at[dst_v.at[i]], ssem[b],
                                    add=True)

        gather(0, 0)
        gather(1, 1)

        @pl.loop(0, blocks, step=KBODY)
        def _(i):
            sd = {}
            for k in range(KBODY):
                b = k % 2
                pltpu.make_async_copy(
                    feat_hbm.at[src_v.at[i + k]], rows[b], gsem[b]).wait()
                sd[k] = scatter(i + k, b)
                hist_upd(i + k)
                sd[k].wait()
                nxt = i + k + 2

                @pl.when(nxt < blocks)
                def _():
                    gather(nxt, b)

        plsc.subcore_barrier()

        r0 = s * ROWS_PER_TILE
        tail = N_NODES - (NS - 1) * ROWS_PER_TILE
        if with_deg:
            pltpu.sync_copy(hist_v, degh_hbm.at[w])

        @pl.when(s < NS - 1)
        def _():
            pltpu.sync_copy(acc_sh.at[pl.ds(r0, ROWS_PER_TILE)],
                            part_hbm.at[c, pl.ds(r0, ROWS_PER_TILE)])

        @pl.when(s == NS - 1)
        def _():
            pltpu.sync_copy(acc_sh.at[pl.ds((NS - 1) * ROWS_PER_TILE, tail)],
                            part_hbm.at[c, pl.ds((NS - 1) * ROWS_PER_TILE, tail)])

    return pl.kernel(body, out_type=tuple(out_type), mesh=mesh,
                     scratch_types=scratch,
                     compiler_params=pltpu.CompilerParams(
                         use_tc_tiling_on_sc=False,
                         needs_layout_passes=False))


_agg1 = _make_agg(NFEAT, blk=64, with_deg=True)
_agg2 = _make_agg(NCLASS, blk=128, with_deg=False)

ROW_BLK = 2048


def _layer1_body(p_ref, degh_ref, w1t_ref, b1_ref, w2t_ref, z_ref):
    s = p_ref[0] + p_ref[1]
    deg = jnp.sum(degh_ref[...], axis=0)[:, None]
    mean = s / (deg + 1e-6)
    h = jnp.maximum(
        jnp.dot(mean, w1t_ref[...], preferred_element_type=jnp.float32)
        + b1_ref[...], 0.0)
    z_ref[...] = jnp.dot(h, w2t_ref[...], preferred_element_type=jnp.float32)


def _layer2_body(q_ref, degh_ref, b2_ref, out_ref):
    s = q_ref[0] + q_ref[1]
    deg = jnp.sum(degh_ref[...], axis=0)[:, None]
    t = s / (deg + 1e-6) + b2_ref[...]
    m = jnp.max(t, axis=1, keepdims=True)
    ls = jnp.log(jnp.sum(jnp.exp(t - m), axis=1, keepdims=True)) + m
    out_ref[...] = t - ls


def _tc_layer1(p, degh, w1t, b1, w2t):
    return pl.pallas_call(
        _layer1_body,
        grid=(pl.cdiv(N_NODES, ROW_BLK),),
        in_specs=[
            pl.BlockSpec((NC, ROW_BLK, NFEAT), lambda i: (0, i, 0)),
            pl.BlockSpec((NW, ROW_BLK), lambda i: (0, i)),
            pl.BlockSpec((NFEAT, NHID), lambda i: (0, 0)),
            pl.BlockSpec((1, NHID), lambda i: (0, 0)),
            pl.BlockSpec((NHID, NCLASS), lambda i: (0, 0)),
        ],
        out_specs=pl.BlockSpec((ROW_BLK, NCLASS), lambda i: (i, 0)),
        out_shape=jax.ShapeDtypeStruct((N_NODES, NCLASS), jnp.float32),
    )(p, degh, w1t, b1, w2t)


def _tc_layer2(q, degh, b2):
    return pl.pallas_call(
        _layer2_body,
        grid=(pl.cdiv(N_NODES, ROW_BLK),),
        in_specs=[
            pl.BlockSpec((NC, ROW_BLK, NCLASS), lambda i: (0, i, 0)),
            pl.BlockSpec((NW, ROW_BLK), lambda i: (0, i)),
            pl.BlockSpec((1, NCLASS), lambda i: (0, 0)),
        ],
        out_specs=pl.BlockSpec((ROW_BLK, NCLASS), lambda i: (i, 0)),
        out_shape=jax.ShapeDtypeStruct((N_NODES, NCLASS), jnp.float32),
    )(q, degh, b2)


def kernel(x, edge_index, W1, b1, W2, b2):
    n_extra = E_PAD - N_EDGES
    pad_src = (jnp.arange(n_extra, dtype=jnp.int32) * 13) % N_NODES
    pad_dst = N_NODES + (jnp.arange(n_extra, dtype=jnp.int32) % (N_PAD - N_NODES))
    src = jnp.concatenate([edge_index[0].astype(jnp.int32), pad_src])
    dst = jnp.concatenate([edge_index[1].astype(jnp.int32), pad_dst])
    src64 = src.reshape(NW, EDGES_PER_W // 64, 64)
    dst64 = dst.reshape(NW, EDGES_PER_W // 64, 64)
    src128 = src.reshape(NW, EDGES_PER_W // 128, 128)
    dst128 = dst.reshape(NW, EDGES_PER_W // 128, 128)

    zeros128 = jnp.zeros((ROWS_PER_TILE, NFEAT), jnp.float32)
    zeros64 = jnp.zeros((ROWS_PER_TILE, NCLASS), jnp.float32)
    zerosn = jnp.zeros((N_PAD,), jnp.float32)

    p, degh = _agg1(x, src64, dst64, zeros128, zerosn)
    z = _tc_layer1(p, degh, W1.T, b1.reshape(1, NHID), W2.T)
    (q,) = _agg2(z, src128, dst128, zeros64)
    return _tc_layer2(q, degh, b2.reshape(1, NCLASS))

# --- scband reference (transcript-rebuilt; emitter-appended) ---
"""Pipeline reference for scband-graph-sage-8718783611326 (READ-ONLY COPY).

The authoritative reference and input builder live on the scoring server;
editing this copy changes nothing except your own understanding.
"""

import jax, jax.numpy as jnp
import numpy as np

N_NODES = 10000
N_EDGES = 320000
NFEAT = 128
NHID = 128
NCLASS = 64


def setup_inputs(seed: int = 0) -> dict:
    key = jax.random.key(seed)
    k1, k2, k3, k4, k5, k6 = jax.random.split(key, 6)
    x = jax.random.normal(k1, (N_NODES, NFEAT), dtype=jnp.float32)
    edge_index = jax.random.randint(k2, (2, N_EDGES), 0, N_NODES, dtype=jnp.int64)
    # Layer 1: Linear(nfeat -> nhid)
    W1 = jax.random.normal(k3, (NHID, NFEAT), dtype=jnp.float32) * (1.0 / np.sqrt(NFEAT))
    b1 = jax.random.normal(k4, (NHID,), dtype=jnp.float32) * 0.01
    # Layer 2: Linear(nhid -> nclass)
    W2 = jax.random.normal(k5, (NCLASS, NHID), dtype=jnp.float32) * (1.0 / np.sqrt(NHID))
    b2 = jax.random.normal(k6, (NCLASS,), dtype=jnp.float32) * 0.01
    return {"x": x, "edge_index": edge_index, "W1": W1, "b1": b1, "W2": W2, "b2": b2}


def _sage_conv(x, edge_index, W, b):
    # Equivalent of: neighbor_mean = spmm(adj, x) / (spmm(adj, ones_like(x)) + 1e-6); linear(neighbor_mean)
    src = edge_index[0]
    dst = edge_index[1]
    msgs = jnp.take(x, src, axis=0)                                  # gather
    summed = jax.ops.segment_sum(msgs, dst, num_segments=N_NODES)    # scatter-add (spmm(adj, x))
    deg = jax.ops.segment_sum(jnp.ones_like(msgs), dst, num_segments=N_NODES)  # spmm(adj, ones)
    neighbor_mean = summed / (deg + 1e-6)
    return neighbor_mean @ W.T + b


def reference(x, edge_index, W1, b1, W2, b2):
    h = _sage_conv(x, edge_index, W1, b1)
    h = jax.nn.relu(h)
    # F.dropout with training=False is a no-op (module in eval mode)
    h = _sage_conv(h, edge_index, W2, b2)
    return jax.nn.log_softmax(h, axis=1)

if __name__ == "__main__":
    import jax
    _d = setup_inputs()
    print(jax.jit(kernel)(*tuple(_d.values())))

</pallas_src>

<mosaic_0001>
#map = affine_map<(d0, d1) -> (0, 0)>
#map1 = affine_map<(d0, d1) -> (0, 0, 0)>
module attributes {stable_mosaic.version = 14 : i64} {
  func.func @body(%arg0: i32, %arg1: i32, %arg2: memref<10000x64xf32, #tpu.memory_space<hbm>>, %arg3: memref<32x80x128xi32, #tpu.memory_space<hbm>>, %arg4: memref<32x80x128xi32, #tpu.memory_space<hbm>>, %arg5: memref<640x64xf32, #tpu.memory_space<hbm>>, %arg6: memref<2x10000x64xf32, #tpu.memory_space<hbm>>, %arg7: memref<80x128xi32, #tpu.memory_space<vmem>>, %arg8: memref<80x128xi32, #tpu.memory_space<vmem>>, %arg9: memref<128x64xf32, #tpu.memory_space<vmem>>, %arg10: memref<128x64xf32, #tpu.memory_space<vmem>>, %arg11: memref<!tpu.dma_semaphore, #tpu.memory_space<semaphore_mem>>, %arg12: memref<!tpu.dma_semaphore, #tpu.memory_space<semaphore_mem>>, %arg13: memref<!tpu.dma_semaphore, #tpu.memory_space<semaphore_mem>>, %arg14: memref<!tpu.dma_semaphore, #tpu.memory_space<semaphore_mem>>, %arg15: memref<10240x64xf32, #tpu.memory_space<vmem_shared>>) attributes {dimension_semantics = [#tpu.dimension_semantics<core_parallel>, #tpu.dimension_semantics<subcore_parallel>], iteration_bounds = array<i64: 2, 16>, scalar_prefetch = 0 : i64, scratch_operands = 9 : i64, tpu.core_type = #tpu.core_type<sc_vector_subcore>, window_params = [{transform_indices = #map}, {transform_indices = #map1}, {transform_indices = #map1}, {transform_indices = #map}, {transform_indices = #map1}]} {
    %mul3A = arith.constant 16 : i32
    %mul3A_0 = arith.muli %arg0, %mul3A : i32
    %add3A = arith.addi %mul3A_0, %arg1 : i32
    %mul3A_1 = arith.constant 640 : i32
    %mul3A_2 = arith.muli %arg1, %mul3A_1 : i32
    "tpu.region"() ({
      %run_scoped3A = tpu.sem_alloc : memref<!tpu.dma_semaphore, #tpu.memory_space<semaphore_mem>>
      %dma_start3A_30 = arith.constant 0 : i32
      %dma_start3A_31 = tpu.memref_slice %arg15[%mul3A_2, %dma_start3A_30] : memref<10240x64xf32, #tpu.memory_space<vmem_shared>> -> memref<640x64xf32, #tpu.memory_space<vmem_shared>>
      tpu.enqueue_dma source(%arg5 : memref<640x64xf32, #tpu.memory_space<hbm>>) target(%dma_start3A_31 : memref<640x64xf32, #tpu.memory_space<vmem_shared>>) target_semaphore(%run_scoped3A : memref<!tpu.dma_semaphore, #tpu.memory_space<semaphore_mem>>)
      %dma_wait3A = arith.constant 0 : i32
      %dma_wait3A_32 = tpu.memref_slice %arg15[%mul3A_2, %dma_wait3A] : memref<10240x64xf32, #tpu.memory_space<vmem_shared>> -> memref<640x64xf32, #tpu.memory_space<vmem_shared>>
      tpu.wait_dma2 semaphore(%run_scoped3A : memref<!tpu.dma_semaphore, #tpu.memory_space<semaphore_mem>>) src(%arg5 : memref<640x64xf32, #tpu.memory_space<hbm>>) dst(%dma_wait3A_32 : memref<640x64xf32, #tpu.memory_space<vmem_shared>>)
      tpu.yield
    }) : () -> ()
    "tpu.region"() ({
      %run_scoped3A = tpu.sem_alloc : memref<!tpu.dma_semaphore, #tpu.memory_space<semaphore_mem>>
      %dma_start3A_30 = arith.constant 0 : i32
      %dma_start3A_31 = arith.constant 0 : i32
      %dma_start3A_32 = tpu.memref_slice %arg3[%add3A, %dma_start3A_30, %dma_start3A_31] : memref<32x80x128xi32, #tpu.memory_space<hbm>> -> memref<1x80x128xi32, #tpu.memory_space<hbm>>
      %dma_start3A_33 = tpu.memref_squeeze %dma_start3A_32 : memref<1x80x128xi32, #tpu.memory_space<hbm>> -> memref<80x128xi32, #tpu.memory_space<hbm>>
      %dma_start3A_34 = arith.constant 0 : i32
      %dma_start3A_35 = arith.constant 0 : i32
      %dma_start3A_36 = tpu.memref_slice %arg3[%add3A, %dma_start3A_34, %dma_start3A_35] : memref<32x80x128xi32, #tpu.memory_space<hbm>> -> memref<1x80x128xi32, #tpu.memory_space<hbm>>
      %dma_start3A_37 = tpu.memref_squeeze %dma_start3A_36 : memref<1x80x128xi32, #tpu.memory_space<hbm>> -> memref<80x128xi32, #tpu.memory_space<hbm>>
      tpu.enqueue_dma source(%dma_start3A_37 : memref<80x128xi32, #tpu.memory_space<hbm>>) target(%arg7 : memref<80x128xi32, #tpu.memory_space<vmem>>) target_semaphore(%run_scoped3A : memref<!tpu.dma_semaphore, #tpu.memory_space<semaphore_mem>>)
      %dma_wait3A = arith.constant 0 : i32
      %dma_wait3A_38 = arith.constant 0 : i32
      %dma_wait3A_39 = tpu.memref_slice %arg3[%add3A, %dma_wait3A, %dma_wait3A_38] : memref<32x80x128xi32, #tpu.memory_space<hbm>> -> memref<1x80x128xi32, #tpu.memory_space<hbm>>
      %dma_wait3A_40 = tpu.memref_squeeze %dma_wait3A_39 : memref<1x80x128xi32, #tpu.memory_space<hbm>> -> memref<80x128xi32, #tpu.memory_space<hbm>>
      %dma_wait3A_41 = arith.constant 0 : i32
      %dma_wait3A_42 = arith.constant 0 : i32
      %dma_wait3A_43 = tpu.memref_slice %arg3[%add3A, %dma_wait3A_41, %dma_wait3A_42] : memref<32x80x128xi32, #tpu.memory_space<hbm>> -> memref<1x80x128xi32, #tpu.memory_space<hbm>>
      %dma_wait3A_44 = tpu.memref_squeeze %dma_wait3A_43 : memref<1x80x128xi32, #tpu.memory_space<hbm>> -> memref<80x128xi32, #tpu.memory_space<hbm>>
      tpu.wait_dma2 semaphore(%run_scoped3A : memref<!tpu.dma_semaphore, #tpu.memory_space<semaphore_mem>>) src(%dma_wait3A_44 : memref<80x128xi32, #tpu.memory_space<hbm>>) dst(%arg7 : memref<80x128xi32, #tpu.memory_space<vmem>>)
      tpu.yield
    }) : () -> ()
    "tpu.region"() ({
      %run_scoped3A = tpu.sem_alloc : memref<!tpu.dma_semaphore, #tpu.memory_space<semaphore_mem>>
      %dma_start3A_30 = arith.constant 0 : i32
      %dma_start3A_31 = arith.constant 0 : i32
      %dma_start3A_32 = tpu.memref_slice %arg4[%add3A, %dma_start3A_30, %dma_start3A_31] : memref<32x80x128xi32, #tpu.memory_space<hbm>> -> memref<1x80x128xi32, #tpu.memory_space<hbm>>
      %dma_start3A_33 = tpu.memref_squeeze %dma_start3A_32 : memref<1x80x128xi32, #tpu.memory_space<hbm>> -> memref<80x128xi32, #tpu.memory_space<hbm>>
      %dma_start3A_34 = arith.constant 0 : i32
      %dma_start3A_35 = arith.constant 0 : i32
      %dma_start3A_36 = tpu.memref_slice %arg4[%add3A, %dma_start3A_34, %dma_start3A_35] : memref<32x80x128xi32, #tpu.memory_space<hbm>> -> memref<1x80x128xi32, #tpu.memory_space<hbm>>
      %dma_start3A_37 = tpu.memref_squeeze %dma_start3A_36 : memref<1x80x128xi32, #tpu.memory_space<hbm>> -> memref<80x128xi32, #tpu.memory_space<hbm>>
      tpu.enqueue_dma source(%dma_start3A_37 : memref<80x128xi32, #tpu.memory_space<hbm>>) target(%arg8 : memref<80x128xi32, #tpu.memory_space<vmem>>) target_semaphore(%run_scoped3A : memref<!tpu.dma_semaphore, #tpu.memory_space<semaphore_mem>>)
      %dma_wait3A = arith.constant 0 : i32
      %dma_wait3A_38 = arith.constant 0 : i32
      %dma_wait3A_39 = tpu.memref_slice %arg4[%add3A, %dma_wait3A, %dma_wait3A_38] : memref<32x80x128xi32, #tpu.memory_space<hbm>> -> memref<1x80x128xi32, #tpu.memory_space<hbm>>
      %dma_wait3A_40 = tpu.memref_squeeze %dma_wait3A_39 : memref<1x80x128xi32, #tpu.memory_space<hbm>> -> memref<80x128xi32, #tpu.memory_space<hbm>>
      %dma_wait3A_41 = arith.constant 0 : i32
      %dma_wait3A_42 = arith.constant 0 : i32
      %dma_wait3A_43 = tpu.memref_slice %arg4[%add3A, %dma_wait3A_41, %dma_wait3A_42] : memref<32x80x128xi32, #tpu.memory_space<hbm>> -> memref<1x80x128xi32, #tpu.memory_space<hbm>>
      %dma_wait3A_44 = tpu.memref_squeeze %dma_wait3A_43 : memref<1x80x128xi32, #tpu.memory_space<hbm>> -> memref<80x128xi32, #tpu.memory_space<hbm>>
      tpu.wait_dma2 semaphore(%run_scoped3A : memref<!tpu.dma_semaphore, #tpu.memory_space<semaphore_mem>>) src(%dma_wait3A_44 : memref<80x128xi32, #tpu.memory_space<hbm>>) dst(%arg8 : memref<80x128xi32, #tpu.memory_space<vmem>>)
      tpu.yield
    }) : () -> ()
    %barrier3A = arith.constant 0 : index
    tpu.barrier barrier_id(%barrier3A)
    %broadcast_in_dim3A = arith.constant 1.000000e+00 : f32
    %broadcast_in_dim3A_3 = vector.broadcast %broadcast_in_dim3A : f32 to vector<16xf32>
    %dma_start3A = arith.constant 0 : i32
    %dma_start3A_4 = arith.constant 0 : i32
    %dma_start3A_5 = tpu.memref_slice %arg7[%dma_start3A, %dma_start3A_4] : memref<80x128xi32, #tpu.memory_space<vmem>> -> memref<1x128xi32, #tpu.memory_space<vmem>>
    %dma_start3A_6 = tpu.memref_squeeze %dma_start3A_5 : memref<1x128xi32, #tpu.memory_space<vmem>> -> memref<128xi32, #tpu.memory_space<vmem>>
    %dma_start3A_7 = arith.constant 0 : i32
    %dma_start3A_8 = arith.constant 0 : i32
    %dma_start3A_9 = tpu.memref_slice %arg2[%dma_start3A_7, %dma_start3A_8] : memref<10000x64xf32, #tpu.memory_space<hbm>> -> memref<10000x64xf32, #tpu.memory_space<hbm>>
    tpu.enqueue_indirect_dma source(%dma_start3A_9 : memref<10000x64xf32, #tpu.memory_space<hbm>>) target(%arg9 : memref<128x64xf32, #tpu.memory_space<vmem>>) offsets(%dma_start3A_6 : memref<128xi32, #tpu.memory_space<vmem>>) semaphore(%arg11 : memref<!tpu.dma_semaphore, #tpu.memory_space<semaphore_mem>>)
    %dma_start3A_10 = arith.constant 1 : i32
    %dma_start3A_11 = arith.constant 0 : i32
    %dma_start3A_12 = tpu.memref_slice %arg7[%dma_start3A_10, %dma_start3A_11] : memref<80x128xi32, #tpu.memory_space<vmem>> -> memref<1x128xi32, #tpu.memory_space<vmem>>
    %dma_start3A_13 = tpu.memref_squeeze %dma_start3A_12 : memref<1x128xi32, #tpu.memory_space<vmem>> -> memref<128xi32, #tpu.memory_space<vmem>>
    %dma_start3A_14 = arith.constant 0 : i32
    %dma_start3A_15 = arith.constant 0 : i32
    %dma_start3A_16 = tpu.memref_slice %arg2[%dma_start3A_14, %dma_start3A_15] : memref<10000x64xf32, #tpu.memory_space<hbm>> -> memref<10000x64xf32, #tpu.memory_space<hbm>>
    tpu.enqueue_indirect_dma source(%dma_start3A_16 : memref<10000x64xf32, #tpu.memory_space<hbm>>) target(%arg10 : memref<128x64xf32, #tpu.memory_space<vmem>>) offsets(%dma_start3A_13 : memref<128xi32, #tpu.memory_space<vmem>>) semaphore(%arg12 : memref<!tpu.dma_semaphore, #tpu.memory_space<semaphore_mem>>)
    %scan3A = arith.constant 0 : i32
    %scan3A_17 = arith.constant 10 : i32
    %scan3A_18 = arith.addi %scan3A, %scan3A_17 : i32
    %scan3A_19 = arith.constant 1 : i32
    scf.for %scan3A_30 = %scan3A to %scan3A_18 step %scan3A_19  : i32 {
      %mul3A_31 = arith.constant 8 : i32
      %mul3A_32 = arith.muli %scan3A_30, %mul3A_31 : i32
      %add3A_33 = arith.constant 0 : i32
      %add3A_34 = arith.addi %add3A_33, %mul3A_32 : i32
      %add3A_35 = arith.constant 0 : i32
      %add3A_36 = arith.addi %add3A_34, %add3A_35 : i32
      %dma_wait3A = arith.constant 0 : i32
      %dma_wait3A_37 = tpu.memref_slice %arg7[%add3A_36, %dma_wait3A] : memref<80x128xi32, #tpu.memory_space<vmem>> -> memref<1x128xi32, #tpu.memory_space<vmem>>
      %dma_wait3A_38 = tpu.memref_squeeze %dma_wait3A_37 : memref<1x128xi32, #tpu.memory_space<vmem>> -> memref<128xi32, #tpu.memory_space<vmem>>
      %dma_wait3A_39 = arith.constant 0 : i32
      %dma_wait3A_40 = arith.constant 0 : i32
      %dma_wait3A_41 = tpu.memref_slice %arg2[%dma_wait3A_39, %dma_wait3A_40] : memref<10000x64xf32, #tpu.memory_space<hbm>> -> memref<10000x64xf32, #tpu.memory_space<hbm>>
      tpu.wait_indirect_dma semaphore(%arg11 : memref<!tpu.dma_semaphore, #tpu.memory_space<semaphore_mem>>) src(%dma_wait3A_41 : memref<10000x64xf32, #tpu.memory_space<hbm>>) dst(%arg9 : memref<128x64xf32, #tpu.memory_space<vmem>>)
      %add3A_42 = arith.constant 0 : i32
      %add3A_43 = arith.addi %add3A_34, %add3A_42 : i32
      %dma_start3A_44 = arith.constant 0 : i32
      %dma_start3A_45 = tpu.memref_slice %arg8[%add3A_43, %dma_start3A_44] : memref<80x128xi32, #tpu.memory_space<vmem>> -> memref<1x128xi32, #tpu.memory_space<vmem>>
      %dma_start3A_46 = tpu.memref_squeeze %dma_start3A_45 : memref<1x128xi32, #tpu.memory_space<vmem>> -> memref<128xi32, #tpu.memory_space<vmem>>
      %dma_start3A_47 = arith.constant 0 : i32
      %dma_start3A_48 = arith.constant 0 : i32
      %dma_start3A_49 = tpu.memref_slice %arg15[%dma_start3A_47, %dma_start3A_48] : memref<10240x64xf32, #tpu.memory_space<vmem_shared>> -> memref<10240x64xf32, #tpu.memory_space<vmem_shared>>
      tpu.enqueue_indirect_dma source(%arg9 : memref<128x64xf32, #tpu.memory_space<vmem>>) target(%dma_start3A_49 : memref<10240x64xf32, #tpu.memory_space<vmem_shared>>) offsets(%dma_start3A_46 : memref<128xi32, #tpu.memory_space<vmem>>) semaphore(%arg13 : memref<!tpu.dma_semaphore, #tpu.memory_space<semaphore_mem>>) {add = true}
      %add3A_50 = arith.constant 0 : i32
      %add3A_51 = arith.addi %add3A_34, %add3A_50 : i32
      %dma_wait3A_52 = arith.constant 0 : i32
      %dma_wait3A_53 = tpu.memref_slice %arg8[%add3A_43, %dma_wait3A_52] : memref<80x128xi32, #tpu.memory_space<vmem>> -> memref<1x128xi32, #tpu.memory_space<vmem>>
      %dma_wait3A_54 = tpu.memref_squeeze %dma_wait3A_53 : memref<1x128xi32, #tpu.memory_space<vmem>> -> memref<128xi32, #tpu.memory_space<vmem>>
      %dma_wait3A_55 = arith.constant 0 : i32
      %dma_wait3A_56 = arith.constant 0 : i32
      %dma_wait3A_57 = tpu.memref_slice %arg15[%dma_wait3A_55, %dma_wait3A_56] : memref<10240x64xf32, #tpu.memory_space<vmem_shared>> -> memref<10240x64xf32, #tpu.memory_space<vmem_shared>>
      tpu.wait_indirect_dma semaphore(%arg13 : memref<!tpu.dma_semaphore, #tpu.memory_space<semaphore_mem>>) src(%arg9 : memref<128x64xf32, #tpu.memory_space<vmem>>) dst(%dma_wait3A_57 : memref<10240x64xf32, #tpu.memory_space<vmem_shared>>)
      %add3A_58 = arith.constant 0 : i32
      %add3A_59 = arith.addi %add3A_34, %add3A_58 : i32
      %add3A_60 = arith.constant 2 : i32
      %add3A_61 = arith.addi %add3A_59, %add3A_60 : i32
      %lt3A_62 = arith.constant 80 : i32
      %lt3A_63 = arith.cmpi slt, %add3A_61, %lt3A_62 : i32
      %convert_element_type3A_64 = arith.extui %lt3A_63 : i1 to i32
      %cond3A_65 = arith.constant 0 : i32
      %cond3A_66 = arith.cmpi ne, %convert_element_type3A_64, %cond3A_65 : i32
      scf.if %cond3A_66 {
        %dma_start3A_298 = arith.constant 0 : i32
        %dma_start3A_299 = tpu.memref_slice %arg7[%add3A_61, %dma_start3A_298] : memref<80x128xi32, #tpu.memory_space<vmem>> -> memref<1x128xi32, #tpu.memory_space<vmem>>
        %dma_start3A_300 = tpu.memref_squeeze %dma_start3A_299 : memref<1x128xi32, #tpu.memory_space<vmem>> -> memref<128xi32, #tpu.memory_space<vmem>>
        %dma_start3A_301 = arith.constant 0 : i32
        %dma_start3A_302 = arith.constant 0 : i32
        %dma_start3A_303 = tpu.memref_slice %arg2[%dma_start3A_301, %dma_start3A_302] : memref<10000x64xf32, #tpu.memory_space<hbm>> -> memref<10000x64xf32, #tpu.memory_space<hbm>>
        tpu.enqueue_indirect_dma source(%dma_start3A_303 : memref<10000x64xf32, #tpu.memory_space<hbm>>) target(%arg9 : memref<128x64xf32, #tpu.memory_space<vmem>>) offsets(%dma_start3A_300 : memref<128xi32, #tpu.memory_space<vmem>>) semaphore(%arg11 : memref<!tpu.dma_semaphore, #tpu.memory_space<semaphore_mem>>)
      } else {
      }
      %add3A_67 = arith.constant 1 : i32
      %add3A_68 = arith.addi %add3A_34, %add3A_67 : i32
      %dma_wait3A_69 = arith.constant 0 : i32
      %dma_wait3A_70 = tpu.memref_slice %arg7[%add3A_68, %dma_wait3A_69] : memref<80x128xi32, #tpu.memory_space<vmem>> -> memref<1x128xi32, #tpu.memory_space<vmem>>
      %dma_wait3A_71 = tpu.memref_squeeze %dma_wait3A_70 : memref<1x128xi32, #tpu.memory_space<vmem>> -> memref<128xi32, #tpu.memory_space<vmem>>
      %dma_wait3A_72 = arith.constant 0 : i32
      %dma_wait3A_73 = arith.constant 0 : i32
      %dma_wait3A_74 = tpu.memref_slice %arg2[%dma_wait3A_72, %dma_wait3A_73] : memref<10000x64xf32, #tpu.memory_space<hbm>> -> memref<10000x64xf32, #tpu.memory_space<hbm>>
      tpu.wait_indirect_dma semaphore(%arg12 : memref<!tpu.dma_semaphore, #tpu.memory_space<semaphore_mem>>) src(%dma_wait3A_74 : memref<10000x64xf32, #tpu.memory_space<hbm>>) dst(%arg10 : memref<128x64xf32, #tpu.memory_space<vmem>>)
      %add3A_75 = arith.constant 1 : i32
      %add3A_76 = arith.addi %add3A_34, %add3A_75 : i32
      %dma_start3A_77 = arith.constant 0 : i32
      %dma_start3A_78 = tpu.memref_slice %arg8[%add3A_76, %dma_start3A_77] : memref<80x128xi32, #tpu.memory_space<vmem>> -> memref<1x128xi32, #tpu.memory_space<vmem>>
      %dma_start3A_79 = tpu.memref_squeeze %dma_start3A_78 : memref<1x128xi32, #tpu.memory_space<vmem>> -> memref<128xi32, #tpu.memory_space<vmem>>
      %dma_start3A_80 = arith.constant 0 : i32
      %dma_start3A_81 = arith.constant 0 : i32
      %dma_start3A_82 = tpu.memref_slice %arg15[%dma_start3A_80, %dma_start3A_81] : memref<10240x64xf32, #tpu.memory_space<vmem_shared>> -> memref<10240x64xf32, #tpu.memory_space<vmem_shared>>
      tpu.enqueue_indirect_dma source(%arg10 : memref<128x64xf32, #tpu.memory_space<vmem>>) target(%dma_start3A_82 : memref<10240x64xf32, #tpu.memory_space<vmem_shared>>) offsets(%dma_start3A_79 : memref<128xi32, #tpu.memory_space<vmem>>) semaphore(%arg14 : memref<!tpu.dma_semaphore, #tpu.memory_space<semaphore_mem>>) {add = true}
      %add3A_83 = arith.constant 1 : i32
      %add3A_84 = arith.addi %add3A_34, %add3A_83 : i32
      %dma_wait3A_85 = arith.constant 0 : i32
      %dma_wait3A_86 = tpu.memref_slice %arg8[%add3A_76, %dma_wait3A_85] : memref<80x128xi32, #tpu.memory_space<vmem>> -> memref<1x128xi32, #tpu.memory_space<vmem>>
      %dma_wait3A_87 = tpu.memref_squeeze %dma_wait3A_86 : memref<1x128xi32, #tpu.memory_space<vmem>> -> memref<128xi32, #tpu.memory_space<vmem>>
      %dma_wait3A_88 = arith.constant 0 : i32
      %dma_wait3A_89 = arith.constant 0 : i32
      %dma_wait3A_90 = tpu.memref_slice %arg15[%dma_wait3A_88, %dma_wait3A_89] : memref<10240x64xf32, #tpu.memory_space<vmem_shared>> -> memref<10240x64xf32, #tpu.memory_space<vmem_shared>>
      tpu.wait_indirect_dma semaphore(%arg14 : memref<!tpu.dma_semaphore, #tpu.memory_space<semaphore_mem>>) src(%arg10 : memref<128x64xf32, #tpu.memory_space<vmem>>) dst(%dma_wait3A_90 : memref<10240x64xf32, #tpu.memory_space<vmem_shared>>)
      %add3A_91 = arith.constant 1 : i32
      %add3A_92 = arith.addi %add3A_34, %add3A_91 : i32
      %add3A_93 = arith.constant 2 : i32
      %add3A_94 = arith.addi %add3A_92, %add3A_93 : i32
      %lt3A_95 = arith.constant 80 : i32
      %lt3A_96 = arith.cmpi slt, %add3A_94, %lt3A_95 : i32
      %convert_element_type3A_97 = arith.extui %lt3A_96 : i1 to i32
      %cond3A_98 = arith.constant 0 : i32
      %cond3A_99 = arith.cmpi ne, %convert_element_type3A_97, %cond3A_98 : i32
      scf.if %cond3A_99 {
        %dma_start3A_298 = arith.constant 0 : i32
        %dma_start3A_299 = tpu.memref_slice %arg7[%add3A_94, %dma_start3A_298] : memref<80x128xi32, #tpu.memory_space<vmem>> -> memref<1x128xi32, #tpu.memory_space<vmem>>
        %dma_start3A_300 = tpu.memref_squeeze %dma_start3A_299 : memref<1x128xi32, #tpu.memory_space<vmem>> -> memref<128xi32, #tpu.memory_space<vmem>>
        %dma_start3A_301 = arith.constant 0 : i32
        %dma_start3A_302 = arith.constant 0 : i32
        %dma_start3A_303 = tpu.memref_slice %arg2[%dma_start3A_301, %dma_start3A_302] : memref<10000x64xf32, #tpu.memory_space<hbm>> -> memref<10000x64xf32, #tpu.memory_space<hbm>>
        tpu.enqueue_indirect_dma source(%dma_start3A_303 : memref<10000x64xf32, #tpu.memory_space<hbm>>) target(%arg10 : memref<128x64xf32, #tpu.memory_space<vmem>>) offsets(%dma_start3A_300 : memref<128xi32, #tpu.memory_space<vmem>>) semaphore(%arg12 : memref<!tpu.dma_semaphore, #tpu.memory_space<semaphore_mem>>)
      } else {
      }
      %add3A_100 = arith.constant 2 : i32
      %add3A_101 = arith.addi %add3A_34, %add3A_100 : i32
      %dma_wait3A_102 = arith.constant 0 : i32
      %dma_wait3A_103 = tpu.memref_slice %arg7[%add3A_101, %dma_wait3A_102] : memref<80x128xi32, #tpu.memory_space<vmem>> -> memref<1x128xi32, #tpu.memory_space<vmem>>
      %dma_wait3A_104 = tpu.memref_squeeze %dma_wait3A_103 : memref<1x128xi32, #tpu.memory_space<vmem>> -> memref<128xi32, #tpu.memory_space<vmem>>
      %dma_wait3A_105 = arith.constant 0 : i32
      %dma_wait3A_106 = arith.constant 0 : i32
      %dma_wait3A_107 = tpu.memref_slice %arg2[%dma_wait3A_105, %dma_wait3A_106] : memref<10000x64xf32, #tpu.memory_space<hbm>> -> memref<10000x64xf32, #tpu.memory_space<hbm>>
      tpu.wait_indirect_dma semaphore(%arg11 : memref<!tpu.dma_semaphore, #tpu.memory_space<semaphore_mem>>) src(%dma_wait3A_107 : memref<10000x64xf32, #tpu.memory_space<hbm>>) dst(%arg9 : memref<128x64xf32, #tpu.memory_space<vmem>>)
      %add3A_108 = arith.constant 2 : i32
      %add3A_109 = arith.addi %add3A_34, %add3A_108 : i32
      %dma_start3A_110 = arith.constant 0 : i32
      %dma_start3A_111 = tpu.memref_slice %arg8[%add3A_109, %dma_start3A_110] : memref<80x128xi32, #tpu.memory_space<vmem>> -> memref<1x128xi32, #tpu.memory_space<vmem>>
      %dma_start3A_112 = tpu.memref_squeeze %dma_start3A_111 : memref<1x128xi32, #tpu.memory_space<vmem>> -> memref<128xi32, #tpu.memory_space<vmem>>
      %dma_start3A_113 = arith.constant 0 : i32
      %dma_start3A_114 = arith.constant 0 : i32
      %dma_start3A_115 = tpu.memref_slice %arg15[%dma_start3A_113, %dma_start3A_114] : memref<10240x64xf32, #tpu.memory_space<vmem_shared>> -> memref<10240x64xf32, #tpu.memory_space<vmem_shared>>
      tpu.enqueue_indirect_dma source(%arg9 : memref<128x64xf32, #tpu.memory_space<vmem>>) target(%dma_start3A_115 : memref<10240x64xf32, #tpu.memory_space<vmem_shared>>) offsets(%dma_start3A_112 : memref<128xi32, #tpu.memory_space<vmem>>) semaphore(%arg13 : memref<!tpu.dma_semaphore, #tpu.memory_space<semaphore_mem>>) {add = true}
      %add3A_116 = arith.constant 2 : i32
      %add3A_117 = arith.addi %add3A_34, %add3A_116 : i32
      %dma_wait3A_118 = arith.constant 0 : i32
      %dma_wait3A_119 = tpu.memref_slice %arg8[%add3A_109, %dma_wait3A_118] : memref<80x128xi32, #tpu.memory_space<vmem>> -> memref<1x128xi32, #tpu.memory_space<vmem>>
      %dma_wait3A_120 = tpu.memref_squeeze %dma_wait3A_119 : memref<1x128xi32, #tpu.memory_space<vmem>> -> memref<128xi32, #tpu.memory_space<vmem>>
      %dma_wait3A_121 = arith.constant 0 : i32
      %dma_wait3A_122 = arith.constant 0 : i32
      %dma_wait3A_123 = tpu.memref_slice %arg15[%dma_wait3A_121, %dma_wait3A_122] : memref<10240x64xf32, #tpu.memory_space<vmem_shared>> -> memref<10240x64xf32, #tpu.memory_space<vmem_shared>>
      tpu.wait_indirect_dma semaphore(%arg13 : memref<!tpu.dma_semaphore, #tpu.memory_space<semaphore_mem>>) src(%arg9 : memref<128x64xf32, #tpu.memory_space<vmem>>) dst(%dma_wait3A_123 : memref<10240x64xf32, #tpu.memory_space<vmem_shared>>)
      %add3A_124 = arith.constant 2 : i32
      %add3A_125 = arith.addi %add3A_34, %add3A_124 : i32
      %add3A_126 = arith.constant 2 : i32
      %add3A_127 = arith.addi %add3A_125, %add3A_126 : i32
      %lt3A_128 = arith.constant 80 : i32
      %lt3A_129 = arith.cmpi slt, %add3A_127, %lt3A_128 : i32
      %convert_element_type3A_130 = arith.extui %lt3A_129 : i1 to i32
      %cond3A_131 = arith.constant 0 : i32
      %cond3A_132 = arith.cmpi ne, %convert_element_type3A_130, %cond3A_131 : i32
      scf.if %cond3A_132 {
        %dma_start3A_298 = arith.constant 0 : i32
        %dma_start3A_299 = tpu.memref_slice %arg7[%add3A_127, %dma_start3A_298] : memref<80x128xi32, #tpu.memory_space<vmem>> -> memref<1x128xi32, #tpu.memory_space<vmem>>
        %dma_start3A_300 = tpu.memref_squeeze %dma_start3A_299 : memref<1x128xi32, #tpu.memory_space<vmem>> -> memref<128xi32, #tpu.memory_space<vmem>>
        %dma_start3A_301 = arith.constant 0 : i32
        %dma_start3A_302 = arith.constant 0 : i32
        %dma_start3A_303 = tpu.memref_slice %arg2[%dma_start3A_301, %dma_start3A_302] : memref<10000x64xf32, #tpu.memory_space<hbm>> -> memref<10000x64xf32, #tpu.memory_space<hbm>>
        tpu.enqueue_indirect_dma source(%dma_start3A_303 : memref<10000x64xf32, #tpu.memory_space<hbm>>) target(%arg9 : memref<128x64xf32, #tpu.memory_space<vmem>>) offsets(%dma_start3A_300 : memref<128xi32, #tpu.memory_space<vmem>>) semaphore(%arg11 : memref<!tpu.dma_semaphore, #tpu.memory_space<semaphore_mem>>)
      } else {
      }
      %add3A_133 = arith.constant 3 : i32
      %add3A_134 = arith.addi %add3A_34, %add3A_133 : i32
      %dma_wait3A_135 = arith.constant 0 : i32
      %dma_wait3A_136 = tpu.memref_slice %arg7[%add3A_134, %dma_wait3A_135] : memref<80x128xi32, #tpu.memory_space<vmem>> -> memref<1x128xi32, #tpu.memory_space<vmem>>
      %dma_wait3A_137 = tpu.memref_squeeze %dma_wait3A_136 : memref<1x128xi32, #tpu.memory_space<vmem>> -> memref<128xi32, #tpu.memory_space<vmem>>
      %dma_wait3A_138 = arith.constant 0 : i32
      %dma_wait3A_139 = arith.constant 0 : i32
      %dma_wait3A_140 = tpu.memref_slice %arg2[%dma_wait3A_138, %dma_wait3A_139] : memref<10000x64xf32, #tpu.memory_space<hbm>> -> memref<10000x64xf32, #tpu.memory_space<hbm>>
      tpu.wait_indirect_dma semaphore(%arg12 : memref<!tpu.dma_semaphore, #tpu.memory_space<semaphore_mem>>) src(%dma_wait3A_140 : memref<10000x64xf32, #tpu.memory_space<hbm>>) dst(%arg10 : memref<128x64xf32, #tpu.memory_space<vmem>>)
      %add3A_141 = arith.constant 3 : i32
      %add3A_142 = arith.addi %add3A_34, %add3A_141 : i32
      %dma_start3A_143 = arith.constant 0 : i32
      %dma_start3A_144 = tpu.memref_slice %arg8[%add3A_142, %dma_start3A_143] : memref<80x128xi32, #tpu.memory_space<vmem>> -> memref<1x128xi32, #tpu.memory_space<vmem>>
      %dma_start3A_145 = tpu.memref_squeeze %dma_start3A_144 : memref<1x128xi32, #tpu.memory_space<vmem>> -> memref<128xi32, #tpu.memory_space<vmem>>
      %dma_start3A_146 = arith.constant 0 : i32
      %dma_start3A_147 = arith.constant 0 : i32
      %dma_start3A_148 = tpu.memref_slice %arg15[%dma_start3A_146, %dma_start3A_147] : memref<10240x64xf32, #tpu.memory_space<vmem_shared>> -> memref<10240x64xf32, #tpu.memory_space<vmem_shared>>
      tpu.enqueue_indirect_dma source(%arg10 : memref<128x64xf32, #tpu.memory_space<vmem>>) target(%dma_start3A_148 : memref<10240x64xf32, #tpu.memory_space<vmem_shared>>) offsets(%dma_start3A_145 : memref<128xi32, #tpu.memory_space<vmem>>) semaphore(%arg14 : memref<!tpu.dma_semaphore, #tpu.memory_space<semaphore_mem>>) {add = true}
      %add3A_149 = arith.constant 3 : i32
      %add3A_150 = arith.addi %add3A_34, %add3A_149 : i32
      %dma_wait3A_151 = arith.constant 0 : i32
      %dma_wait3A_152 = tpu.memref_slice %arg8[%add3A_142, %dma_wait3A_151] : memref<80x128xi32, #tpu.memory_space<vmem>> -> memref<1x128xi32, #tpu.memory_space<vmem>>
      %dma_wait3A_153 = tpu.memref_squeeze %dma_wait3A_152 : memref<1x128xi32, #tpu.memory_space<vmem>> -> memref<128xi32, #tpu.memory_space<vmem>>
      %dma_wait3A_154 = arith.constant 0 : i32
      %dma_wait3A_155 = arith.constant 0 : i32
      %dma_wait3A_156 = tpu.memref_slice %arg15[%dma_wait3A_154, %dma_wait3A_155] : memref<10240x64xf32, #tpu.memory_space<vmem_shared>> -> memref<10240x64xf32, #tpu.memory_space<vmem_shared>>
      tpu.wait_indirect_dma semaphore(%arg14 : memref<!tpu.dma_semaphore, #tpu.memory_space<semaphore_mem>>) src(%arg10 : memref<128x64xf32, #tpu.memory_space<vmem>>) dst(%dma_wait3A_156 : memref<10240x64xf32, #tpu.memory_space<vmem_shared>>)
      %add3A_157 = arith.constant 3 : i32
      %add3A_158 = arith.addi %add3A_34, %add3A_157 : i32
      %add3A_159 = arith.constant 2 : i32
      %add3A_160 = arith.addi %add3A_158, %add3A_159 : i32
      %lt3A_161 = arith.constant 80 : i32
      %lt3A_162 = arith.cmpi slt, %add3A_160, %lt3A_161 : i32
      %convert_element_type3A_163 = arith.extui %lt3A_162 : i1 to i32
      %cond3A_164 = arith.constant 0 : i32
      %cond3A_165 = arith.cmpi ne, %convert_element_type3A_163, %cond3A_164 : i32
      scf.if %cond3A_165 {
        %dma_start3A_298 = arith.constant 0 : i32
        %dma_start3A_299 = tpu.memref_slice %arg7[%add3A_160, %dma_start3A_298] : memref<80x128xi32, #tpu.memory_space<vmem>> -> memref<1x128xi32, #tpu.memory_space<vmem>>
        %dma_start3A_300 = tpu.memref_squeeze %dma_start3A_299 : memref<1x128xi32, #tpu.memory_space<vmem>> -> memref<128xi32, #tpu.memory_space<vmem>>
        %dma_start3A_301 = arith.constant 0 : i32
        %dma_start3A_302 = arith.constant 0 : i32
        %dma_start3A_303 = tpu.memref_slice %arg2[%dma_start3A_301, %dma_start3A_302] : memref<10000x64xf32, #tpu.memory_space<hbm>> -> memref<10000x64xf32, #tpu.memory_space<hbm>>
        tpu.enqueue_indirect_dma source(%dma_start3A_303 : memref<10000x64xf32, #tpu.memory_space<hbm>>) target(%arg10 : memref<128x64xf32, #tpu.memory_space<vmem>>) offsets(%dma_start3A_300 : memref<128xi32, #tpu.memory_space<vmem>>) semaphore(%arg12 : memref<!tpu.dma_semaphore, #tpu.memory_space<semaphore_mem>>)
      } else {
      }
      %add3A_166 = arith.constant 4 : i32
      %add3A_167 = arith.addi %add3A_34, %add3A_166 : i32
      %dma_wait3A_168 = arith.constant 0 : i32
      %dma_wait3A_169 = tpu.memref_slice %arg7[%add3A_167, %dma_wait3A_168] : memref<80x128xi32, #tpu.memory_space<vmem>> -> memref<1x128xi32, #tpu.memory_space<vmem>>
      %dma_wait3A_170 = tpu.memref_squeeze %dma_wait3A_169 : memref<1x128xi32, #tpu.memory_space<vmem>> -> memref<128xi32, #tpu.memory_space<vmem>>
      %dma_wait3A_171 = arith.constant 0 : i32
      %dma_wait3A_172 = arith.constant 0 : i32
      %dma_wait3A_173 = tpu.memref_slice %arg2[%dma_wait3A_171, %dma_wait3A_172] : memref<10000x64xf32, #tpu.memory_space<hbm>> -> memref<10000x64xf32, #tpu.memory_space<hbm>>
      tpu.wait_indirect_dma semaphore(%arg11 : memref<!tpu.dma_semaphore, #tpu.memory_space<semaphore_mem>>) src(%dma_wait3A_173 : memref<10000x64xf32, #tpu.memory_space<hbm>>) dst(%arg9 : memref<128x64xf32, #tpu.memory_space<vmem>>)
      %add3A_174 = arith.constant 4 : i32
      %add3A_175 = arith.addi %add3A_34, %add3A_174 : i32
      %dma_start3A_176 = arith.constant 0 : i32
      %dma_start3A_177 = tpu.memref_slice %arg8[%add3A_175, %dma_start3A_176] : memref<80x128xi32, #tpu.memory_space<vmem>> -> memref<1x128xi32, #tpu.memory_space<vmem>>
      %dma_start3A_178 = tpu.memref_squeeze %dma_start3A_177 : memref<1x128xi32, #tpu.memory_space<vmem>> -> memref<128xi32, #tpu.memory_space<vmem>>
      %dma_start3A_179 = arith.constant 0 : i32
      %dma_start3A_180 = arith.constant 0 : i32
      %dma_start3A_181 = tpu.memref_slice %arg15[%dma_start3A_179, %dma_start3A_180] : memref<10240x64xf32, #tpu.memory_space<vmem_shared>> -> memref<10240x64xf32, #tpu.memory_space<vmem_shared>>
      tpu.enqueue_indirect_dma source(%arg9 : memref<128x64xf32, #tpu.memory_space<vmem>>) target(%dma_start3A_181 : memref<10240x64xf32, #tpu.memory_space<vmem_shared>>) offsets(%dma_start3A_178 : memref<128xi32, #tpu.memory_space<vmem>>) semaphore(%arg13 : memref<!tpu.dma_semaphore, #tpu.memory_space<semaphore_mem>>) {add = true}
      %add3A_182 = arith.constant 4 : i32
      %add3A_183 = arith.addi %add3A_34, %add3A_182 : i32
      %dma_wait3A_184 = arith.constant 0 : i32
      %dma_wait3A_185 = tpu.memref_slice %arg8[%add3A_175, %dma_wait3A_184] : memref<80x128xi32, #tpu.memory_space<vmem>> -> memref<1x128xi32, #tpu.memory_space<vmem>>
      %dma_wait3A_186 = tpu.memref_squeeze %dma_wait3A_185 : memref<1x128xi32, #tpu.memory_space<vmem>> -> memref<128xi32, #tpu.memory_space<vmem>>
      %dma_wait3A_187 = arith.constant 0 : i32
      %dma_wait3A_188 = arith.constant 0 : i32
      %dma_wait3A_189 = tpu.memref_slice %arg15[%dma_wait3A_187, %dma_wait3A_188] : memref<10240x64xf32, #tpu.memory_space<vmem_shared>> -> memref<10240x64xf32, #tpu.memory_space<vmem_shared>>
      tpu.wait_indirect_dma semaphore(%arg13 : memref<!tpu.dma_semaphore, #tpu.memory_space<semaphore_mem>>) src(%arg9 : memref<128x64xf32, #tpu.memory_space<vmem>>) dst(%dma_wait3A_189 : memref<10240x64xf32, #tpu.memory_space<vmem_shared>>)
      %add3A_190 = arith.constant 4 : i32
      %add3A_191 = arith.addi %add3A_34, %add3A_190 : i32
      %add3A_192 = arith.constant 2 : i32
      %add3A_193 = arith.addi %add3A_191, %add3A_192 : i32
      %lt3A_194 = arith.constant 80 : i32
      %lt3A_195 = arith.cmpi slt, %add3A_193, %lt3A_194 : i32
      %convert_element_type3A_196 = arith.extui %lt3A_195 : i1 to i32
      %cond3A_197 = arith.constant 0 : i32
      %cond3A_198 = arith.cmpi ne, %convert_element_type3A_196, %cond3A_197 : i32
      scf.if %cond3A_198 {
        %dma_start3A_298 = arith.constant 0 : i32
        %dma_start3A_299 = tpu.memref_slice %arg7[%add3A_193, %dma_start3A_298] : memref<80x128xi32, #tpu.memory_space<vmem>> -> memref<1x128xi32, #tpu.memory_space<vmem>>
        %dma_start3A_300 = tpu.memref_squeeze %dma_start3A_299 : memref<1x128xi32, #tpu.memory_space<vmem>> -> memref<128xi32, #tpu.memory_space<vmem>>
        %dma_start3A_301 = arith.constant 0 : i32
        %dma_start3A_302 = arith.constant 0 : i32
        %dma_start3A_303 = tpu.memref_slice %arg2[%dma_start3A_301, %dma_start3A_302] : memref<10000x64xf32, #tpu.memory_space<hbm>> -> memref<10000x64xf32, #tpu.memory_space<hbm>>
        tpu.enqueue_indirect_dma source(%dma_start3A_303 : memref<10000x64xf32, #tpu.memory_space<hbm>>) target(%arg9 : memref<128x64xf32, #tpu.memory_space<vmem>>) offsets(%dma_start3A_300 : memref<128xi32, #tpu.memory_space<vmem>>) semaphore(%arg11 : memref<!tpu.dma_semaphore, #tpu.memory_space<semaphore_mem>>)
      } else {
      }
      %add3A_199 = arith.constant 5 : i32
      %add3A_200 = arith.addi %add3A_34, %add3A_199 : i32
      %dma_wait3A_201 = arith.constant 0 : i32
      %dma_wait3A_202 = tpu.memref_slice %arg7[%add3A_200, %dma_wait3A_201] : memref<80x128xi32, #tpu.memory_space<vmem>> -> memref<1x128xi32, #tpu.memory_space<vmem>>
      %dma_wait3A_203 = tpu.memref_squeeze %dma_wait3A_202 : memref<1x128xi32, #tpu.memory_space<vmem>> -> memref<128xi32, #tpu.memory_space<vmem>>
      %dma_wait3A_204 = arith.constant 0 : i32
      %dma_wait3A_205 = arith.constant 0 : i32
      %dma_wait3A_206 = tpu.memref_slice %arg2[%dma_wait3A_204, %dma_wait3A_205] : memref<10000x64xf32, #tpu.memory_space<hbm>> -> memref<10000x64xf32, #tpu.memory_space<hbm>>
      tpu.wait_indirect_dma semaphore(%arg12 : memref<!tpu.dma_semaphore, #tpu.memory_space<semaphore_mem>>) src(%dma_wait3A_206 : memref<10000x64xf32, #tpu.memory_space<hbm>>) dst(%arg10 : memref<128x64xf32, #tpu.memory_space<vmem>>)
      %add3A_207 = arith.constant 5 : i32
      %add3A_208 = arith.addi %add3A_34, %add3A_207 : i32
      %dma_start3A_209 = arith.constant 0 : i32
      %dma_start3A_210 = tpu.memref_slice %arg8[%add3A_208, %dma_start3A_209] : memref<80x128xi32, #tpu.memory_space<vmem>> -> memref<1x128xi32, #tpu.memory_space<vmem>>
      %dma_start3A_211 = tpu.memref_squeeze %dma_start3A_210 : memref<1x128xi32, #tpu.memory_space<vmem>> -> memref<128xi32, #tpu.memory_space<vmem>>
      %dma_start3A_212 = arith.constant 0 : i32
      %dma_start3A_213 = arith.constant 0 : i32
      %dma_start3A_214 = tpu.memref_slice %arg15[%dma_start3A_212, %dma_start3A_213] : memref<10240x64xf32, #tpu.memory_space<vmem_shared>> -> memref<10240x64xf32, #tpu.memory_space<vmem_shared>>
      tpu.enqueue_indirect_dma source(%arg10 : memref<128x64xf32, #tpu.memory_space<vmem>>) target(%dma_start3A_214 : memref<10240x64xf32, #tpu.memory_space<vmem_shared>>) offsets(%dma_start3A_211 : memref<128xi32, #tpu.memory_space<vmem>>) semaphore(%arg14 : memref<!tpu.dma_semaphore, #tpu.memory_space<semaphore_mem>>) {add = true}
      %add3A_215 = arith.constant 5 : i32
      %add3A_216 = arith.addi %add3A_34, %add3A_215 : i32
      %dma_wait3A_217 = arith.constant 0 : i32
      %dma_wait3A_218 = tpu.memref_slice %arg8[%add3A_208, %dma_wait3A_217] : memref<80x128xi32, #tpu.memory_space<vmem>> -> memref<1x128xi32, #tpu.memory_space<vmem>>
      %dma_wait3A_219 = tpu.memref_squeeze %dma_wait3A_218 : memref<1x128xi32, #tpu.memory_space<vmem>> -> memref<128xi32, #tpu.memory_space<vmem>>
      %dma_wait3A_220 = arith.constant 0 : i32
      %dma_wait3A_221 = arith.constant 0 : i32
      %dma_wait3A_222 = tpu.memref_slice %arg15[%dma_wait3A_220, %dma_wait3A_221] : memref<10240x64xf32, #tpu.memory_space<vmem_shared>> -> memref<10240x64xf32, #tpu.memory_space<vmem_shared>>
      tpu.wait_indirect_dma semaphore(%arg14 : memref<!tpu.dma_semaphore, #tpu.memory_space<semaphore_mem>>) src(%arg10 : memref<128x64xf32, #tpu.memory_space<vmem>>) dst(%dma_wait3A_222 : memref<10240x64xf32, #tpu.memory_space<vmem_shared>>)
      %add3A_223 = arith.constant 5 : i32
      %add3A_224 = arith.addi %add3A_34, %add3A_223 : i32
      %add3A_225 = arith.constant 2 : i32
      %add3A_226 = arith.addi %add3A_224, %add3A_225 : i32
      %lt3A_227 = arith.constant 80 : i32
      %lt3A_228 = arith.cmpi slt, %add3A_226, %lt3A_227 : i32
      %convert_element_type3A_229 = arith.extui %lt3A_228 : i1 to i32
      %cond3A_230 = arith.constant 0 : i32
      %cond3A_231 = arith.cmpi ne, %convert_element_type3A_229, %cond3A_230 : i32
      scf.if %cond3A_231 {
        %dma_start3A_298 = arith.constant 0 : i32
        %dma_start3A_299 = tpu.memref_slice %arg7[%add3A_226, %dma_start3A_298] : memref<80x128xi32, #tpu.memory_space<vmem>> -> memref<1x128xi32, #tpu.memory_space<vmem>>
        %dma_start3A_300 = tpu.memref_squeeze %dma_start3A_299 : memref<1x128xi32, #tpu.memory_space<vmem>> -> memref<128xi32, #tpu.memory_space<vmem>>
        %dma_start3A_301 = arith.constant 0 : i32
        %dma_start3A_302 = arith.constant 0 : i32
        %dma_start3A_303 = tpu.memref_slice %arg2[%dma_start3A_301, %dma_start3A_302] : memref<10000x64xf32, #tpu.memory_space<hbm>> -> memref<10000x64xf32, #tpu.memory_space<hbm>>
        tpu.enqueue_indirect_dma source(%dma_start3A_303 : memref<10000x64xf32, #tpu.memory_space<hbm>>) target(%arg10 : memref<128x64xf32, #tpu.memory_space<vmem>>) offsets(%dma_start3A_300 : memref<128xi32, #tpu.memory_space<vmem>>) semaphore(%arg12 : memref<!tpu.dma_semaphore, #tpu.memory_space<semaphore_mem>>)
      } else {
      }
      %add3A_232 = arith.constant 6 : i32
      %add3A_233 = arith.addi %add3A_34, %add3A_232 : i32
      %dma_wait3A_234 = arith.constant 0 : i32
      %dma_wait3A_235 = tpu.memref_slice %arg7[%add3A_233, %dma_wait3A_234] : memref<80x128xi32, #tpu.memory_space<vmem>> -> memref<1x128xi32, #tpu.memory_space<vmem>>
      %dma_wait3A_236 = tpu.memref_squeeze %dma_wait3A_235 : memref<1x128xi32, #tpu.memory_space<vmem>> -> memref<128xi32, #tpu.memory_space<vmem>>
      %dma_wait3A_237 = arith.constant 0 : i32
      %dma_wait3A_238 = arith.constant 0 : i32
      %dma_wait3A_239 = tpu.memref_slice %arg2[%dma_wait3A_237, %dma_wait3A_238] : memref<10000x64xf32, #tpu.memory_space<hbm>> -> memref<10000x64xf32, #tpu.memory_space<hbm>>
      tpu.wait_indirect_dma semaphore(%arg11 : memref<!tpu.dma_semaphore, #tpu.memory_space<semaphore_mem>>) src(%dma_wait3A_239 : memref<10000x64xf32, #tpu.memory_space<hbm>>) dst(%arg9 : memref<128x64xf32, #tpu.memory_space<vmem>>)
      %add3A_240 = arith.constant 6 : i32
      %add3A_241 = arith.addi %add3A_34, %add3A_240 : i32
      %dma_start3A_242 = arith.constant 0 : i32
      %dma_start3A_243 = tpu.memref_slice %arg8[%add3A_241, %dma_start3A_242] : memref<80x128xi32, #tpu.memory_space<vmem>> -> memref<1x128xi32, #tpu.memory_space<vmem>>
      %dma_start3A_244 = tpu.memref_squeeze %dma_start3A_243 : memref<1x128xi32, #tpu.memory_space<vmem>> -> memref<128xi32, #tpu.memory_space<vmem>>
      %dma_start3A_245 = arith.constant 0 : i32
      %dma_start3A_246 = arith.constant 0 : i32
      %dma_start3A_247 = tpu.memref_slice %arg15[%dma_start3A_245, %dma_start3A_246] : memref<10240x64xf32, #tpu.memory_space<vmem_shared>> -> memref<10240x64xf32, #tpu.memory_space<vmem_shared>>
      tpu.enqueue_indirect_dma source(%arg9 : memref<128x64xf32, #tpu.memory_space<vmem>>) target(%dma_start3A_247 : memref<10240x64xf32, #tpu.memory_space<vmem_shared>>) offsets(%dma_start3A_244 : memref<128xi32, #tpu.memory_space<vmem>>) semaphore(%arg13 : memref<!tpu.dma_semaphore, #tpu.memory_space<semaphore_mem>>) {add = true}
      %add3A_248 = arith.constant 6 : i32
      %add3A_249 = arith.addi %add3A_34, %add3A_248 : i32
      %dma_wait3A_250 = arith.constant 0 : i32
      %dma_wait3A_251 = tpu.memref_slice %arg8[%add3A_241, %dma_wait3A_250] : memref<80x128xi32, #tpu.memory_space<vmem>> -> memref<1x128xi32, #tpu.memory_space<vmem>>
      %dma_wait3A_252 = tpu.memref_squeeze %dma_wait3A_251 : memref<1x128xi32, #tpu.memory_space<vmem>> -> memref<128xi32, #tpu.memory_space<vmem>>
      %dma_wait3A_253 = arith.constant 0 : i32
      %dma_wait3A_254 = arith.constant 0 : i32
      %dma_wait3A_255 = tpu.memref_slice %arg15[%dma_wait3A_253, %dma_wait3A_254] : memref<10240x64xf32, #tpu.memory_space<vmem_shared>> -> memref<10240x64xf32, #tpu.memory_space<vmem_shared>>
      tpu.wait_indirect_dma semaphore(%arg13 : memref<!tpu.dma_semaphore, #tpu.memory_space<semaphore_mem>>) src(%arg9 : memref<128x64xf32, #tpu.memory_space<vmem>>) dst(%dma_wait3A_255 : memref<10240x64xf32, #tpu.memory_space<vmem_shared>>)
      %add3A_256 = arith.constant 6 : i32
      %add3A_257 = arith.addi %add3A_34, %add3A_256 : i32
      %add3A_258 = arith.constant 2 : i32
      %add3A_259 = arith.addi %add3A_257, %add3A_258 : i32
      %lt3A_260 = arith.constant 80 : i32
      %lt3A_261 = arith.cmpi slt, %add3A_259, %lt3A_260 : i32
      %convert_element_type3A_262 = arith.extui %lt3A_261 : i1 to i32
      %cond3A_263 = arith.constant 0 : i32
      %cond3A_264 = arith.cmpi ne, %convert_element_type3A_262, %cond3A_263 : i32
      scf.if %cond3A_264 {
        %dma_start3A_298 = arith.constant 0 : i32
        %dma_start3A_299 = tpu.memref_slice %arg7[%add3A_259, %dma_start3A_298] : memref<80x128xi32, #tpu.memory_space<vmem>> -> memref<1x128xi32, #tpu.memory_space<vmem>>
        %dma_start3A_300 = tpu.memref_squeeze %dma_start3A_299 : memref<1x128xi32, #tpu.memory_space<vmem>> -> memref<128xi32, #tpu.memory_space<vmem>>
        %dma_start3A_301 = arith.constant 0 : i32
        %dma_start3A_302 = arith.constant 0 : i32
        %dma_start3A_303 = tpu.memref_slice %arg2[%dma_start3A_301, %dma_start3A_302] : memref<10000x64xf32, #tpu.memory_space<hbm>> -> memref<10000x64xf32, #tpu.memory_space<hbm>>
        tpu.enqueue_indirect_dma source(%dma_start3A_303 : memref<10000x64xf32, #tpu.memory_space<hbm>>) target(%arg9 : memref<128x64xf32, #tpu.memory_space<vmem>>) offsets(%dma_start3A_300 : memref<128xi32, #tpu.memory_space<vmem>>) semaphore(%arg11 : memref<!tpu.dma_semaphore, #tpu.memory_space<semaphore_mem>>)
      } else {
      }
      %add3A_265 = arith.constant 7 : i32
      %add3A_266 = arith.addi %add3A_34, %add3A_265 : i32
      %dma_wait3A_267 = arith.constant 0 : i32
      %dma_wait3A_268 = tpu.memref_slice %arg7[%add3A_266, %dma_wait3A_267] : memref<80x128xi32, #tpu.memory_space<vmem>> -> memref<1x128xi32, #tpu.memory_space<vmem>>
      %dma_wait3A_269 = tpu.memref_squeeze %dma_wait3A_268 : memref<1x128xi32, #tpu.memory_space<vmem>> -> memref<128xi32, #tpu.memory_space<vmem>>
      %dma_wait3A_270 = arith.constant 0 : i32
      %dma_wait3A_271 = arith.constant 0 : i32
      %dma_wait3A_272 = tpu.memref_slice %arg2[%dma_wait3A_270, %dma_wait3A_271] : memref<10000x64xf32, #tpu.memory_space<hbm>> -> memref<10000x64xf32, #tpu.memory_space<hbm>>
      tpu.wait_indirect_dma semaphore(%arg12 : memref<!tpu.dma_semaphore, #tpu.memory_space<semaphore_mem>>) src(%dma_wait3A_272 : memref<10000x64xf32, #tpu.memory_space<hbm>>) dst(%arg10 : memref<128x64xf32, #tpu.memory_space<vmem>>)
      %add3A_273 = arith.constant 7 : i32
      %add3A_274 = arith.addi %add3A_34, %add3A_273 : i32
      %dma_start3A_275 = arith.constant 0 : i32
      %dma_start3A_276 = tpu.memref_slice %arg8[%add3A_274, %dma_start3A_275] : memref<80x128xi32, #tpu.memory_space<vmem>> -> memref<1x128xi32, #tpu.memory_space<vmem>>
      %dma_start3A_277 = tpu.memref_squeeze %dma_start3A_276 : memref<1x128xi32, #tpu.memory_space<vmem>> -> memref<128xi32, #tpu.memory_space<vmem>>
      %dma_start3A_278 = arith.constant 0 : i32
      %dma_start3A_279 = arith.constant 0 : i32
      %dma_start3A_280 = tpu.memref_slice %arg15[%dma_start3A_278, %dma_start3A_279] : memref<10240x64xf32, #tpu.memory_space<vmem_shared>> -> memref<10240x64xf32, #tpu.memory_space<vmem_shared>>
      tpu.enqueue_indirect_dma source(%arg10 : memref<128x64xf32, #tpu.memory_space<vmem>>) target(%dma_start3A_280 : memref<10240x64xf32, #tpu.memory_space<vmem_shared>>) offsets(%dma_start3A_277 : memref<128xi32, #tpu.memory_space<vmem>>) semaphore(%arg14 : memref<!tpu.dma_semaphore, #tpu.memory_space<semaphore_mem>>) {add = true}
      %add3A_281 = arith.constant 7 : i32
      %add3A_282 = arith.addi %add3A_34, %add3A_281 : i32
      %dma_wait3A_283 = arith.constant 0 : i32
      %dma_wait3A_284 = tpu.memref_slice %arg8[%add3A_274, %dma_wait3A_283] : memref<80x128xi32, #tpu.memory_space<vmem>> -> memref<1x128xi32, #tpu.memory_space<vmem>>
      %dma_wait3A_285 = tpu.memref_squeeze %dma_wait3A_284 : memref<1x128xi32, #tpu.memory_space<vmem>> -> memref<128xi32, #tpu.memory_space<vmem>>
      %dma_wait3A_286 = arith.constant 0 : i32
      %dma_wait3A_287 = arith.constant 0 : i32
      %dma_wait3A_288 = tpu.memref_slice %arg15[%dma_wait3A_286, %dma_wait3A_287] : memref<10240x64xf32, #tpu.memory_space<vmem_shared>> -> memref<10240x64xf32, #tpu.memory_space<vmem_shared>>
      tpu.wait_indirect_dma semaphore(%arg14 : memref<!tpu.dma_semaphore, #tpu.memory_space<semaphore_mem>>) src(%arg10 : memref<128x64xf32, #tpu.memory_space<vmem>>) dst(%dma_wait3A_288 : memref<10240x64xf32, #tpu.memory_space<vmem_shared>>)
      %add3A_289 = arith.constant 7 : i32
      %add3A_290 = arith.addi %add3A_34, %add3A_289 : i32
      %add3A_291 = arith.constant 2 : i32
      %add3A_292 = arith.addi %add3A_290, %add3A_291 : i32
      %lt3A_293 = arith.constant 80 : i32
      %lt3A_294 = arith.cmpi slt, %add3A_292, %lt3A_293 : i32
      %convert_element_type3A_295 = arith.extui %lt3A_294 : i1 to i32
      %cond3A_296 = arith.constant 0 : i32
      %cond3A_297 = arith.cmpi ne, %convert_element_type3A_295, %cond3A_296 : i32
      scf.if %cond3A_297 {
        %dma_start3A_298 = arith.constant 0 : i32
        %dma_start3A_299 = tpu.memref_slice %arg7[%add3A_292, %dma_start3A_298] : memref<80x128xi32, #tpu.memory_space<vmem>> -> memref<1x128xi32, #tpu.memory_space<vmem>>
        %dma_start3A_300 = tpu.memref_squeeze %dma_start3A_299 : memref<1x128xi32, #tpu.memory_space<vmem>> -> memref<128xi32, #tpu.memory_space<vmem>>
        %dma_start3A_301 = arith.constant 0 : i32
        %dma_start3A_302 = arith.constant 0 : i32
        %dma_start3A_303 = tpu.memref_slice %arg2[%dma_start3A_301, %dma_start3A_302] : memref<10000x64xf32, #tpu.memory_space<hbm>> -> memref<10000x64xf32, #tpu.memory_space<hbm>>
        tpu.enqueue_indirect_dma source(%dma_start3A_303 : memref<10000x64xf32, #tpu.memory_space<hbm>>) target(%arg10 : memref<128x64xf32, #tpu.memory_space<vmem>>) offsets(%dma_start3A_300 : memref<128xi32, #tpu.memory_space<vmem>>) semaphore(%arg12 : memref<!tpu.dma_semaphore, #tpu.memory_space<semaphore_mem>>)
      } else {
      }
    }
    %scan3A_20 = arith.constant 10 : i32
    %barrier3A_21 = arith.constant 0 : index
    tpu.barrier barrier_id(%barrier3A_21)
    %mul3A_22 = arith.constant 640 : i32
    %mul3A_23 = arith.muli %arg1, %mul3A_22 : i32
    %lt3A = arith.constant 15 : i32
    %lt3A_24 = arith.cmpi slt, %arg1, %lt3A : i32
    %convert_element_type3A = arith.extui %lt3A_24 : i1 to i32
    %cond3A = arith.constant 0 : i32
    %cond3A_25 = arith.cmpi ne, %convert_element_type3A, %cond3A : i32
    scf.if %cond3A_25 {
      "tpu.region"() ({
        %run_scoped3A = tpu.sem_alloc : memref<!tpu.dma_semaphore, #tpu.memory_space<semaphore_mem>>
        %dma_start3A_30 = arith.constant 0 : i32
        %dma_start3A_31 = tpu.memref_slice %arg6[%arg0, %mul3A_23, %dma_start3A_30] : memref<2x10000x64xf32, #tpu.memory_space<hbm>> -> memref<1x640x64xf32, #tpu.memory_space<hbm>>
        %dma_start3A_32 = tpu.memref_squeeze %dma_start3A_31 : memref<1x640x64xf32, #tpu.memory_space<hbm>> -> memref<640x64xf32, #tpu.memory_space<hbm>>
        %dma_start3A_33 = arith.constant 0 : i32
        %dma_start3A_34 = tpu.memref_slice %arg15[%mul3A_23, %dma_start3A_33] : memref<10240x64xf32, #tpu.memory_space<vmem_shared>> -> memref<640x64xf32, #tpu.memory_space<vmem_shared>>
        tpu.enqueue_dma source(%dma_start3A_34 : memref<640x64xf32, #tpu.memory_space<vmem_shared>>) target(%dma_start3A_32 : memref<640x64xf32, #tpu.memory_space<hbm>>) target_semaphore(%run_scoped3A : memref<!tpu.dma_semaphore, #tpu.memory_space<semaphore_mem>>)
        %dma_wait3A = arith.constant 0 : i32
        %dma_wait3A_35 = tpu.memref_slice %arg6[%arg0, %mul3A_23, %dma_wait3A] : memref<2x10000x64xf32, #tpu.memory_space<hbm>> -> memref<1x640x64xf32, #tpu.memory_space<hbm>>
        %dma_wait3A_36 = tpu.memref_squeeze %dma_wait3A_35 : memref<1x640x64xf32, #tpu.memory_space<hbm>> -> memref<640x64xf32, #tpu.memory_space<hbm>>
        %dma_wait3A_37 = arith.constant 0 : i32
        %dma_wait3A_38 = tpu.memref_slice %arg15[%mul3A_23, %dma_wait3A_37] : memref<10240x64xf32, #tpu.memory_space<vmem_shared>> -> memref<640x64xf32, #tpu.memory_space<vmem_shared>>
        tpu.wait_dma2 semaphore(%run_scoped3A : memref<!tpu.dma_semaphore, #tpu.memory_space<semaphore_mem>>) src(%dma_wait3A_38 : memref<640x64xf32, #tpu.memory_space<vmem_shared>>) dst(%dma_wait3A_36 : memref<640x64xf32, #tpu.memory_space<hbm>>)
        tpu.yield
      }) : () -> ()
    } else {
    }
    %eq3A = arith.constant 15 : i32
    %eq3A_26 = arith.cmpi eq, %arg1, %eq3A : i32
    %convert_element_type3A_27 = arith.extui %eq3A_26 : i1 to i32
    %cond3A_28 = arith.constant 0 : i32
    %cond3A_29 = arith.cmpi ne, %convert_element_type3A_27, %cond3A_28 : i32
    scf.if %cond3A_29 {
      "tpu.region"() ({
        %run_scoped3A = tpu.sem_alloc : memref<!tpu.dma_semaphore, #tpu.memory_space<semaphore_mem>>
        %dma_start3A_30 = arith.constant 9600 : i32
        %dma_start3A_31 = arith.constant 0 : i32
        %dma_start3A_32 = tpu.memref_slice %arg6[%arg0, %dma_start3A_30, %dma_start3A_31] : memref<2x10000x64xf32, #tpu.memory_space<hbm>> -> memref<1x400x64xf32, #tpu.memory_space<hbm>>
        %dma_start3A_33 = tpu.memref_squeeze %dma_start3A_32 : memref<1x400x64xf32, #tpu.memory_space<hbm>> -> memref<400x64xf32, #tpu.memory_space<hbm>>
        %dma_start3A_34 = arith.constant 9600 : i32
        %dma_start3A_35 = arith.constant 0 : i32
        %dma_start3A_36 = tpu.memref_slice %arg15[%dma_start3A_34, %dma_start3A_35] : memref<10240x64xf32, #tpu.memory_space<vmem_shared>> -> memref<400x64xf32, #tpu.memory_space<vmem_shared>>
        tpu.enqueue_dma source(%dma_start3A_36 : memref<400x64xf32, #tpu.memory_space<vmem_shared>>) target(%dma_start3A_33 : memref<400x64xf32, #tpu.memory_space<hbm>>) target_semaphore(%run_scoped3A : memref<!tpu.dma_semaphore, #tpu.memory_space<semaphore_mem>>)
        %dma_wait3A = arith.constant 9600 : i32
        %dma_wait3A_37 = arith.constant 0 : i32
        %dma_wait3A_38 = tpu.memref_slice %arg6[%arg0, %dma_wait3A, %dma_wait3A_37] : memref<2x10000x64xf32, #tpu.memory_space<hbm>> -> memref<1x400x64xf32, #tpu.memory_space<hbm>>
        %dma_wait3A_39 = tpu.memref_squeeze %dma_wait3A_38 : memref<1x400x64xf32, #tpu.memory_space<hbm>> -> memref<400x64xf32, #tpu.memory_space<hbm>>
        %dma_wait3A_40 = arith.constant 9600 : i32
        %dma_wait3A_41 = arith.constant 0 : i32
        %dma_wait3A_42 = tpu.memref_slice %arg15[%dma_wait3A_40, %dma_wait3A_41] : memref<10240x64xf32, #tpu.memory_space<vmem_shared>> -> memref<400x64xf32, #tpu.memory_space<vmem_shared>>
        tpu.wait_dma2 semaphore(%run_scoped3A : memref<!tpu.dma_semaphore, #tpu.memory_space<semaphore_mem>>) src(%dma_wait3A_42 : memref<400x64xf32, #tpu.memory_space<vmem_shared>>) dst(%dma_wait3A_39 : memref<400x64xf32, #tpu.memory_space<hbm>>)
        tpu.yield
      }) : () -> ()
    } else {
    }
    return
  }
}

#map = affine_map<(d0, d1) -> (0, 0)>
#map1 = affine_map<(d0, d1) -> (0, 0, 0)>
#map2 = affine_map<(d0, d1) -> (0)>
module attributes {stable_mosaic.version = 14 : i64} {
  func.func @body(%arg0: i32, %arg1: i32, %arg2: memref<10000x128xf32, #tpu.memory_space<hbm>>, %arg3: memref<32x160x64xi32, #tpu.memory_space<hbm>>, %arg4: memref<32x160x64xi32, #tpu.memory_space<hbm>>, %arg5: memref<640x128xf32, #tpu.memory_space<hbm>>, %arg6: memref<10240xf32, #tpu.memory_space<hbm>>, %arg7: memref<2x10000x128xf32, #tpu.memory_space<hbm>>, %arg8: memref<32x10240xf32, #tpu.memory_space<hbm>>, %arg9: memref<160x64xi32, #tpu.memory_space<vmem>>, %arg10: memref<160x64xi32, #tpu.memory_space<vmem>>, %arg11: memref<64x128xf32, #tpu.memory_space<vmem>>, %arg12: memref<64x128xf32, #tpu.memory_space<vmem>>, %arg13: memref<!tpu.dma_semaphore, #tpu.memory_space<semaphore_mem>>, %arg14: memref<!tpu.dma_semaphore, #tpu.memory_space<semaphore_mem>>, %arg15: memref<!tpu.dma_semaphore, #tpu.memory_space<semaphore_mem>>, %arg16: memref<!tpu.dma_semaphore, #tpu.memory_space<semaphore_mem>>, %arg17: memref<10240x128xf32, #tpu.memory_space<vmem_shared>>, %arg18: memref<10240xf32, #tpu.memory_space<vmem>>) attributes {dimension_semantics = [#tpu.dimension_semantics<core_parallel>, #tpu.dimension_semantics<subcore_parallel>], iteration_bounds = array<i64: 2, 16>, scalar_prefetch = 0 : i64, scratch_operands = 10 : i64, tpu.core_type = #tpu.core_type<sc_vector_subcore>, window_params = [{transform_indices = #map}, {transform_indices = #map1}, {transform_indices = #map1}, {transform_indices = #map}, {transform_indices = #map2}, {transform_indices = #map1}, {transform_indices = #map}]} {
    %mul3A = arith.constant 16 : i32
    %mul3A_0 = arith.muli %arg0, %mul3A : i32
    %add3A = arith.addi %mul3A_0, %arg1 : i32
    %mul3A_1 = arith.constant 640 : i32
    %mul3A_2 = arith.muli %arg1, %mul3A_1 : i32
    "tpu.region"() ({
      %run_scoped3A = tpu.sem_alloc : memref<!tpu.dma_semaphore, #tpu.memory_space<semaphore_mem>>
      %dma_start3A_30 = arith.constant 0 : i32
      %dma_start3A_31 = tpu.memref_slice %arg17[%mul3A_2, %dma_start3A_30] : memref<10240x128xf32, #tpu.memory_space<vmem_shared>> -> memref<640x128xf32, #tpu.memory_space<vmem_shared>>
      tpu.enqueue_dma source(%arg5 : memref<640x128xf32, #tpu.memory_space<hbm>>) target(%dma_start3A_31 : memref<640x128xf32, #tpu.memory_space<vmem_shared>>) target_semaphore(%run_scoped3A : memref<!tpu.dma_semaphore, #tpu.memory_space<semaphore_mem>>)
      %dma_wait3A = arith.constant 0 : i32
      %dma_wait3A_32 = tpu.memref_slice %arg17[%mul3A_2, %dma_wait3A] : memref<10240x128xf32, #tpu.memory_space<vmem_shared>> -> memref<640x128xf32, #tpu.memory_space<vmem_shared>>
      tpu.wait_dma2 semaphore(%run_scoped3A : memref<!tpu.dma_semaphore, #tpu.memory_space<semaphore_mem>>) src(%arg5 : memref<640x128xf32, #tpu.memory_space<hbm>>) dst(%dma_wait3A_32 : memref<640x128xf32, #tpu.memory_space<vmem_shared>>)
      tpu.yield
    }) : () -> ()
    "tpu.region"() ({
      %run_scoped3A = tpu.sem_alloc : memref<!tpu.dma_semaphore, #tpu.memory_space<semaphore_mem>>
      %dma_start3A_30 = arith.constant 0 : i32
      %dma_start3A_31 = arith.constant 0 : i32
      %dma_start3A_32 = tpu.memref_slice %arg3[%add3A, %dma_start3A_30, %dma_start3A_31] : memref<32x160x64xi32, #tpu.memory_space<hbm>> -> memref<1x160x64xi32, #tpu.memory_space<hbm>>
      %dma_start3A_33 = tpu.memref_squeeze %dma_start3A_32 : memref<1x160x64xi32, #tpu.memory_space<hbm>> -> memref<160x64xi32, #tpu.memory_space<hbm>>
      %dma_start3A_34 = arith.constant 0 : i32
      %dma_start3A_35 = arith.constant 0 : i32
      %dma_start3A_36 = tpu.memref_slice %arg3[%add3A, %dma_start3A_34, %dma_start3A_35] : memref<32x160x64xi32, #tpu.memory_space<hbm>> -> memref<1x160x64xi32, #tpu.memory_space<hbm>>
      %dma_start3A_37 = tpu.memref_squeeze %dma_start3A_36 : memref<1x160x64xi32, #tpu.memory_space<hbm>> -> memref<160x64xi32, #tpu.memory_space<hbm>>
      tpu.enqueue_dma source(%dma_start3A_37 : memref<160x64xi32, #tpu.memory_space<hbm>>) target(%arg9 : memref<160x64xi32, #tpu.memory_space<vmem>>) target_semaphore(%run_scoped3A : memref<!tpu.dma_semaphore, #tpu.memory_space<semaphore_mem>>)
      %dma_wait3A = arith.constant 0 : i32
      %dma_wait3A_38 = arith.constant 0 : i32
      %dma_wait3A_39 = tpu.memref_slice %arg3[%add3A, %dma_wait3A, %dma_wait3A_38] : memref<32x160x64xi32, #tpu.memory_space<hbm>> -> memref<1x160x64xi32, #tpu.memory_space<hbm>>
      %dma_wait3A_40 = tpu.memref_squeeze %dma_wait3A_39 : memref<1x160x64xi32, #tpu.memory_space<hbm>> -> memref<160x64xi32, #tpu.memory_space<hbm>>
      %dma_wait3A_41 = arith.constant 0 : i32
      %dma_wait3A_42 = arith.constant 0 : i32
      %dma_wait3A_43 = tpu.memref_slice %arg3[%add3A, %dma_wait3A_41, %dma_wait3A_42] : memref<32x160x64xi32, #tpu.memory_space<hbm>> -> memref<1x160x64xi32, #tpu.memory_space<hbm>>
      %dma_wait3A_44 = tpu.memref_squeeze %dma_wait3A_43 : memref<1x160x64xi32, #tpu.memory_space<hbm>> -> memref<160x64xi32, #tpu.memory_space<hbm>>
      tpu.wait_dma2 semaphore(%run_scoped3A : memref<!tpu.dma_semaphore, #tpu.memory_space<semaphore_mem>>) src(%dma_wait3A_44 : memref<160x64xi32, #tpu.memory_space<hbm>>) dst(%arg9 : memref<160x64xi32, #tpu.memory_space<vmem>>)
      tpu.yield
    }) : () -> ()
    "tpu.region"() ({
      %run_scoped3A = tpu.sem_alloc : memref<!tpu.dma_semaphore, #tpu.memory_space<semaphore_mem>>
      %dma_start3A_30 = arith.constant 0 : i32
      %dma_start3A_31 = arith.constant 0 : i32
      %dma_start3A_32 = tpu.memref_slice %arg4[%add3A, %dma_start3A_30, %dma_start3A_31] : memref<32x160x64xi32, #tpu.memory_space<hbm>> -> memref<1x160x64xi32, #tpu.memory_space<hbm>>
      %dma_start3A_33 = tpu.memref_squeeze %dma_start3A_32 : memref<1x160x64xi32, #tpu.memory_space<hbm>> -> memref<160x64xi32, #tpu.memory_space<hbm>>
      %dma_start3A_34 = arith.constant 0 : i32
      %dma_start3A_35 = arith.constant 0 : i32
      %dma_start3A_36 = tpu.memref_slice %arg4[%add3A, %dma_start3A_34, %dma_start3A_35] : memref<32x160x64xi32, #tpu.memory_space<hbm>> -> memref<1x160x64xi32, #tpu.memory_space<hbm>>
      %dma_start3A_37 = tpu.memref_squeeze %dma_start3A_36 : memref<1x160x64xi32, #tpu.memory_space<hbm>> -> memref<160x64xi32, #tpu.memory_space<hbm>>
      tpu.enqueue_dma source(%dma_start3A_37 : memref<160x64xi32, #tpu.memory_space<hbm>>) target(%arg10 : memref<160x64xi32, #tpu.memory_space<vmem>>) target_semaphore(%run_scoped3A : memref<!tpu.dma_semaphore, #tpu.memory_space<semaphore_mem>>)
      %dma_wait3A = arith.constant 0 : i32
      %dma_wait3A_38 = arith.constant 0 : i32
      %dma_wait3A_39 = tpu.memref_slice %arg4[%add3A, %dma_wait3A, %dma_wait3A_38] : memref<32x160x64xi32, #tpu.memory_space<hbm>> -> memref<1x160x64xi32, #tpu.memory_space<hbm>>
      %dma_wait3A_40 = tpu.memref_squeeze %dma_wait3A_39 : memref<1x160x64xi32, #tpu.memory_space<hbm>> -> memref<160x64xi32, #tpu.memory_space<hbm>>
      %dma_wait3A_41 = arith.constant 0 : i32
      %dma_wait3A_42 = arith.constant 0 : i32
      %dma_wait3A_43 = tpu.memref_slice %arg4[%add3A, %dma_wait3A_41, %dma_wait3A_42] : memref<32x160x64xi32, #tpu.memory_space<hbm>> -> memref<1x160x64xi32, #tpu.memory_space<hbm>>
      %dma_wait3A_44 = tpu.memref_squeeze %dma_wait3A_43 : memref<1x160x64xi32, #tpu.memory_space<hbm>> -> memref<160x64xi32, #tpu.memory_space<hbm>>
      tpu.wait_dma2 semaphore(%run_scoped3A : memref<!tpu.dma_semaphore, #tpu.memory_space<semaphore_mem>>) src(%dma_wait3A_44 : memref<160x64xi32, #tpu.memory_space<hbm>>) dst(%arg10 : memref<160x64xi32, #tpu.memory_space<vmem>>)
      tpu.yield
    }) : () -> ()
    "tpu.region"() ({
      %run_scoped3A = tpu.sem_alloc : memref<!tpu.dma_semaphore, #tpu.memory_space<semaphore_mem>>
      tpu.enqueue_dma source(%arg6 : memref<10240xf32, #tpu.memory_space<hbm>>) target(%arg18 : memref<10240xf32, #tpu.memory_space<vmem>>) target_semaphore(%run_scoped3A : memref<!tpu.dma_semaphore, #tpu.memory_space<semaphore_mem>>)
      tpu.wait_dma2 semaphore(%run_scoped3A : memref<!tpu.dma_semaphore, #tpu.memory_space<semaphore_mem>>) src(%arg6 : memref<10240xf32, #tpu.memory_space<hbm>>) dst(%arg18 : memref<10240xf32, #tpu.memory_space<vmem>>)
      tpu.yield
    }) : () -> ()
    %barrier3A = arith.constant 0 : index
    tpu.barrier barrier_id(%barrier3A)
    %broadcast_in_dim3A = arith.constant 1.000000e+00 : f32
    %broadcast_in_dim3A_3 = vector.broadcast %broadcast_in_dim3A : f32 to vector<16xf32>
    %dma_start3A = arith.constant 0 : i32
    %dma_start3A_4 = arith.constant 0 : i32
    %dma_start3A_5 = tpu.memref_slice %arg9[%dma_start3A, %dma_start3A_4] : memref<160x64xi32, #tpu.memory_space<vmem>> -> memref<1x64xi32, #tpu.memory_space<vmem>>
    %dma_start3A_6 = tpu.memref_squeeze %dma_start3A_5 : memref<1x64xi32, #tpu.memory_space<vmem>> -> memref<64xi32, #tpu.memory_space<vmem>>
    %dma_start3A_7 = arith.constant 0 : i32
    %dma_start3A_8 = arith.constant 0 : i32
    %dma_start3A_9 = tpu.memref_slice %arg2[%dma_start3A_7, %dma_start3A_8] : memref<10000x128xf32, #tpu.memory_space<hbm>> -> memref<10000x128xf32, #tpu.memory_space<hbm>>
    tpu.enqueue_indirect_dma source(%dma_start3A_9 : memref<10000x128xf32, #tpu.memory_space<hbm>>) target(%arg11 : memref<64x128xf32, #tpu.memory_space<vmem>>) offsets(%dma_start3A_6 : memref<64xi32, #tpu.memory_space<vmem>>) semaphore(%arg13 : memref<!tpu.dma_semaphore, #tpu.memory_space<semaphore_mem>>)
    %dma_start3A_10 = arith.constant 1 : i32
    %dma_start3A_11 = arith.constant 0 : i32
    %dma_start3A_12 = tpu.memref_slice %arg9[%dma_start3A_10, %dma_start3A_11] : memref<160x64xi32, #tpu.memory_space<vmem>> -> memref<1x64xi32, #tpu.memory_space<vmem>>
    %dma_start3A_13 = tpu.memref_squeeze %dma_start3A_12 : memref<1x64xi32, #tpu.memory_space<vmem>> -> memref<64xi32, #tpu.memory_space<vmem>>
    %dma_start3A_14 = arith.constant 0 : i32
    %dma_start3A_15 = arith.constant 0 : i32
    %dma_start3A_16 = tpu.memref_slice %arg2[%dma_start3A_14, %dma_start3A_15] : memref<10000x128xf32, #tpu.memory_space<hbm>> -> memref<10000x128xf32, #tpu.memory_space<hbm>>
    tpu.enqueue_indirect_dma source(%dma_start3A_16 : memref<10000x128xf32, #tpu.memory_space<hbm>>) target(%arg12 : memref<64x128xf32, #tpu.memory_space<vmem>>) offsets(%dma_start3A_13 : memref<64xi32, #tpu.memory_space<vmem>>) semaphore(%arg14 : memref<!tpu.dma_semaphore, #tpu.memory_space<semaphore_mem>>)
    %scan3A = arith.constant 0 : i32
    %scan3A_17 = arith.constant 20 : i32
    %scan3A_18 = arith.addi %scan3A, %scan3A_17 : i32
    %scan3A_19 = arith.constant 1 : i32
    scf.for %scan3A_30 = %scan3A to %scan3A_18 step %scan3A_19  : i32 {
      %mul3A_31 = arith.constant 8 : i32
      %mul3A_32 = arith.muli %scan3A_30, %mul3A_31 : i32
      %add3A_33 = arith.constant 0 : i32
      %add3A_34 = arith.addi %add3A_33, %mul3A_32 : i32
      %add3A_35 = arith.constant 0 : i32
      %add3A_36 = arith.addi %add3A_34, %add3A_35 : i32
      %dma_wait3A = arith.constant 0 : i32
      %dma_wait3A_37 = tpu.memref_slice %arg9[%add3A_36, %dma_wait3A] : memref<160x64xi32, #tpu.memory_space<vmem>> -> memref<1x64xi32, #tpu.memory_space<vmem>>
      %dma_wait3A_38 = tpu.memref_squeeze %dma_wait3A_37 : memref<1x64xi32, #tpu.memory_space<vmem>> -> memref<64xi32, #tpu.memory_space<vmem>>
      %dma_wait3A_39 = arith.constant 0 : i32
      %dma_wait3A_40 = arith.constant 0 : i32
      %dma_wait3A_41 = tpu.memref_slice %arg2[%dma_wait3A_39, %dma_wait3A_40] : memref<10000x128xf32, #tpu.memory_space<hbm>> -> memref<10000x128xf32, #tpu.memory_space<hbm>>
      tpu.wait_indirect_dma semaphore(%arg13 : memref<!tpu.dma_semaphore, #tpu.memory_space<semaphore_mem>>) src(%dma_wait3A_41 : memref<10000x128xf32, #tpu.memory_space<hbm>>) dst(%arg11 : memref<64x128xf32, #tpu.memory_space<vmem>>)
      %add3A_42 = arith.constant 0 : i32
      %add3A_43 = arith.addi %add3A_34, %add3A_42 : i32
      %dma_start3A_44 = arith.constant 0 : i32
      %dma_start3A_45 = tpu.memref_slice %arg10[%add3A_43, %dma_start3A_44] : memref<160x64xi32, #tpu.memory_space<vmem>> -> memref<1x64xi32, #tpu.memory_space<vmem>>
      %dma_start3A_46 = tpu.memref_squeeze %dma_start3A_45 : memref<1x64xi32, #tpu.memory_space<vmem>> -> memref<64xi32, #tpu.memory_space<vmem>>
      %dma_start3A_47 = arith.constant 0 : i32
      %dma_start3A_48 = arith.constant 0 : i32
      %dma_start3A_49 = tpu.memref_slice %arg17[%dma_start3A_47, %dma_start3A_48] : memref<10240x128xf32, #tpu.memory_space<vmem_shared>> -> memref<10240x128xf32, #tpu.memory_space<vmem_shared>>
      tpu.enqueue_indirect_dma source(%arg11 : memref<64x128xf32, #tpu.memory_space<vmem>>) target(%dma_start3A_49 : memref<10240x128xf32, #tpu.memory_space<vmem_shared>>) offsets(%dma_start3A_46 : memref<64xi32, #tpu.memory_space<vmem>>) semaphore(%arg15 : memref<!tpu.dma_semaphore, #tpu.memory_space<semaphore_mem>>) {add = true}
      %add3A_50 = arith.constant 0 : i32
      %add3A_51 = arith.addi %add3A_34, %add3A_50 : i32
      %get3A = arith.index_cast %add3A_51 : i32 to index
      %get3A_52 = arith.constant 0 : index
      %get3A_53 = tpu.vector_load %arg10[%get3A, %get3A_52] {strides = array<i32>} : memref<160x64xi32, #tpu.memory_space<vmem>>, vector<16xi32>,
      tpu.vector_store_idx %arg18[%get3A_53], %broadcast_in_dim3A_3 {add = true} : memref<10240xf32, #tpu.memory_space<vmem>>[vector<16xi32>], vector<16xf32>,
      %get3A_54 = arith.index_cast %add3A_51 : i32 to index
      %get3A_55 = arith.constant 16 : index
      %get3A_56 = tpu.vector_load %arg10[%get3A_54, %get3A_55] {strides = array<i32>} : memref<160x64xi32, #tpu.memory_space<vmem>>, vector<16xi32>,
      tpu.vector_store_idx %arg18[%get3A_56], %broadcast_in_dim3A_3 {add = true} : memref<10240xf32, #tpu.memory_space<vmem>>[vector<16xi32>], vector<16xf32>,
      %get3A_57 = arith.index_cast %add3A_51 : i32 to index
      %get3A_58 = arith.constant 32 : index
      %get3A_59 = tpu.vector_load %arg10[%get3A_57, %get3A_58] {strides = array<i32>} : memref<160x64xi32, #tpu.memory_space<vmem>>, vector<16xi32>,
      tpu.vector_store_idx %arg18[%get3A_59], %broadcast_in_dim3A_3 {add = true} : memref<10240xf32, #tpu.memory_space<vmem>>[vector<16xi32>], vector<16xf32>,
      %get3A_60 = arith.index_cast %add3A_51 : i32 to index
      %get3A_61 = arith.constant 48 : index
      %get3A_62 = tpu.vector_load %arg10[%get3A_60, %get3A_61] {strides = array<i32>} : memref<160x64xi32, #tpu.memory_space<vmem>>, vector<16xi32>,
      tpu.vector_store_idx %arg18[%get3A_62], %broadcast_in_dim3A_3 {add = true} : memref<10240xf32, #tpu.memory_space<vmem>>[vector<16xi32>], vector<16xf32>,
      %dma_wait3A_63 = arith.constant 0 : i32
      %dma_wait3A_64 = tpu.memref_slice %arg10[%add3A_43, %dma_wait3A_63] : memref<160x64xi32, #tpu.memory_space<vmem>> -> memref<1x64xi32, #tpu.memory_space<vmem>>
      %dma_wait3A_65 = tpu.memref_squeeze %dma_wait3A_64 : memref<1x64xi32, #tpu.memory_space<vmem>> -> memref<64xi32, #tpu.memory_space<vmem>>
      %dma_wait3A_66 = arith.constant 0 : i32
      %dma_wait3A_67 = arith.constant 0 : i32
      %dma_wait3A_68 = tpu.memref_slice %arg17[%dma_wait3A_66, %dma_wait3A_67] : memref<10240x128xf32, #tpu.memory_space<vmem_shared>> -> memref<10240x128xf32, #tpu.memory_space<vmem_shared>>
      tpu.wait_indirect_dma semaphore(%arg15 : memref<!tpu.dma_semaphore, #tpu.memory_space<semaphore_mem>>) src(%arg11 : memref<64x128xf32, #tpu.memory_space<vmem>>) dst(%dma_wait3A_68 : memref<10240x128xf32, #tpu.memory_space<vmem_shared>>)
      %add3A_69 = arith.constant 0 : i32
      %add3A_70 = arith.addi %add3A_34, %add3A_69 : i32
      %add3A_71 = arith.constant 2 : i32
      %add3A_72 = arith.addi %add3A_70, %add3A_71 : i32
      %lt3A_73 = arith.constant 160 : i32
      %lt3A_74 = arith.cmpi slt, %add3A_72, %lt3A_73 : i32
      %convert_element_type3A_75 = arith.extui %lt3A_74 : i1 to i32
      %cond3A_76 = arith.constant 0 : i32
      %cond3A_77 = arith.cmpi ne, %convert_element_type3A_75, %cond3A_76 : i32
      scf.if %cond3A_77 {
        %dma_start3A_393 = arith.constant 0 : i32
        %dma_start3A_394 = tpu.memref_slice %arg9[%add3A_72, %dma_start3A_393] : memref<160x64xi32, #tpu.memory_space<vmem>> -> memref<1x64xi32, #tpu.memory_space<vmem>>
        %dma_start3A_395 = tpu.memref_squeeze %dma_start3A_394 : memref<1x64xi32, #tpu.memory_space<vmem>> -> memref<64xi32, #tpu.memory_space<vmem>>
        %dma_start3A_396 = arith.constant 0 : i32
        %dma_start3A_397 = arith.constant 0 : i32
        %dma_start3A_398 = tpu.memref_slice %arg2[%dma_start3A_396, %dma_start3A_397] : memref<10000x128xf32, #tpu.memory_space<hbm>> -> memref<10000x128xf32, #tpu.memory_space<hbm>>
        tpu.enqueue_indirect_dma source(%dma_start3A_398 : memref<10000x128xf32, #tpu.memory_space<hbm>>) target(%arg11 : memref<64x128xf32, #tpu.memory_space<vmem>>) offsets(%dma_start3A_395 : memref<64xi32, #tpu.memory_space<vmem>>) semaphore(%arg13 : memref<!tpu.dma_semaphore, #tpu.memory_space<semaphore_mem>>)
      } else {
      }
      %add3A_78 = arith.constant 1 : i32
      %add3A_79 = arith.addi %add3A_34, %add3A_78 : i32
      %dma_wait3A_80 = arith.constant 0 : i32
      %dma_wait3A_81 = tpu.memref_slice %arg9[%add3A_79, %dma_wait3A_80] : memref<160x64xi32, #tpu.memory_space<vmem>> -> memref<1x64xi32, #tpu.memory_space<vmem>>
      %dma_wait3A_82 = tpu.memref_squeeze %dma_wait3A_81 : memref<1x64xi32, #tpu.memory_space<vmem>> -> memref<64xi32, #tpu.memory_space<vmem>>
      %dma_wait3A_83 = arith.constant 0 : i32
      %dma_wait3A_84 = arith.constant 0 : i32
      %dma_wait3A_85 = tpu.memref_slice %arg2[%dma_wait3A_83, %dma_wait3A_84] : memref<10000x128xf32, #tpu.memory_space<hbm>> -> memref<10000x128xf32, #tpu.memory_space<hbm>>
      tpu.wait_indirect_dma semaphore(%arg14 : memref<!tpu.dma_semaphore, #tpu.memory_space<semaphore_mem>>) src(%dma_wait3A_85 : memref<10000x128xf32, #tpu.memory_space<hbm>>) dst(%arg12 : memref<64x128xf32, #tpu.memory_space<vmem>>)
      %add3A_86 = arith.constant 1 : i32
      %add3A_87 = arith.addi %add3A_34, %add3A_86 : i32
      %dma_start3A_88 = arith.constant 0 : i32
      %dma_start3A_89 = tpu.memref_slice %arg10[%add3A_87, %dma_start3A_88] : memref<160x64xi32, #tpu.memory_space<vmem>> -> memref<1x64xi32, #tpu.memory_space<vmem>>
      %dma_start3A_90 = tpu.memref_squeeze %dma_start3A_89 : memref<1x64xi32, #tpu.memory_space<vmem>> -> memref<64xi32, #tpu.memory_space<vmem>>
      %dma_start3A_91 = arith.constant 0 : i32
      %dma_start3A_92 = arith.constant 0 : i32
      %dma_start3A_93 = tpu.memref_slice %arg17[%dma_start3A_91, %dma_start3A_92] : memref<10240x128xf32, #tpu.memory_space<vmem_shared>> -> memref<10240x128xf32, #tpu.memory_space<vmem_shared>>
      tpu.enqueue_indirect_dma source(%arg12 : memref<64x128xf32, #tpu.memory_space<vmem>>) target(%dma_start3A_93 : memref<10240x128xf32, #tpu.memory_space<vmem_shared>>) offsets(%dma_start3A_90 : memref<64xi32, #tpu.memory_space<vmem>>) semaphore(%arg16 : memref<!tpu.dma_semaphore, #tpu.memory_space<semaphore_mem>>) {add = true}
      %add3A_94 = arith.constant 1 : i32
      %add3A_95 = arith.addi %add3A_34, %add3A_94 : i32
      %get3A_96 = arith.index_cast %add3A_95 : i32 to index
      %get3A_97 = arith.constant 0 : index
      %get3A_98 = tpu.vector_load %arg10[%get3A_96, %get3A_97] {strides = array<i32>} : memref<160x64xi32, #tpu.memory_space<vmem>>, vector<16xi32>,
      tpu.vector_store_idx %arg18[%get3A_98], %broadcast_in_dim3A_3 {add = true} : memref<10240xf32, #tpu.memory_space<vmem>>[vector<16xi32>], vector<16xf32>,
      %get3A_99 = arith.index_cast %add3A_95 : i32 to index
      %get3A_100 = arith.constant 16 : index
      %get3A_101 = tpu.vector_load %arg10[%get3A_99, %get3A_100] {strides = array<i32>} : memref<160x64xi32, #tpu.memory_space<vmem>>, vector<16xi32>,
      tpu.vector_store_idx %arg18[%get3A_101], %broadcast_in_dim3A_3 {add = true} : memref<10240xf32, #tpu.memory_space<vmem>>[vector<16xi32>], vector<16xf32>,
      %get3A_102 = arith.index_cast %add3A_95 : i32 to index
      %get3A_103 = arith.constant 32 : index
      %get3A_104 = tpu.vector_load %arg10[%get3A_102, %get3A_103] {strides = array<i32>} : memref<160x64xi32, #tpu.memory_space<vmem>>, vector<16xi32>,
      tpu.vector_store_idx %arg18[%get3A_104], %broadcast_in_dim3A_3 {add = true} : memref<10240xf32, #tpu.memory_space<vmem>>[vector<16xi32>], vector<16xf32>,
      %get3A_105 = arith.index_cast %add3A_95 : i32 to index
      %get3A_106 = arith.constant 48 : index
      %get3A_107 = tpu.vector_load %arg10[%get3A_105, %get3A_106] {strides = array<i32>} : memref<160x64xi32, #tpu.memory_space<vmem>>, vector<16xi32>,
      tpu.vector_store_idx %arg18[%get3A_107], %broadcast_in_dim3A_3 {add = true} : memref<10240xf32, #tpu.memory_space<vmem>>[vector<16xi32>], vector<16xf32>,
      %dma_wait3A_108 = arith.constant 0 : i32
      %dma_wait3A_109 = tpu.memref_slice %arg10[%add3A_87, %dma_wait3A_108] : memref<160x64xi32, #tpu.memory_space<vmem>> -> memref<1x64xi32, #tpu.memory_space<vmem>>
      %dma_wait3A_110 = tpu.memref_squeeze %dma_wait3A_109 : memref<1x64xi32, #tpu.memory_space<vmem>> -> memref<64xi32, #tpu.memory_space<vmem>>
      %dma_wait3A_111 = arith.constant 0 : i32
      %dma_wait3A_112 = arith.constant 0 : i32
      %dma_wait3A_113 = tpu.memref_slice %arg17[%dma_wait3A_111, %dma_wait3A_112] : memref<10240x128xf32, #tpu.memory_space<vmem_shared>> -> memref<10240x128xf32, #tpu.memory_space<vmem_shared>>
      tpu.wait_indirect_dma semaphore(%arg16 : memref<!tpu.dma_semaphore, #tpu.memory_space<semaphore_mem>>) src(%arg12 : memref<64x128xf32, #tpu.memory_space<vmem>>) dst(%dma_wait3A_113 : memref<10240x128xf32, #tpu.memory_space<vmem_shared>>)
      %add3A_114 = arith.constant 1 : i32
      %add3A_115 = arith.addi %add3A_34, %add3A_114 : i32
      %add3A_116 = arith.constant 2 : i32
      %add3A_117 = arith.addi %add3A_115, %add3A_116 : i32
      %lt3A_118 = arith.constant 160 : i32
      %lt3A_119 = arith.cmpi slt, %add3A_117, %lt3A_118 : i32
      %convert_element_type3A_120 = arith.extui %lt3A_119 : i1 to i32
      %cond3A_121 = arith.constant 0 : i32
      %cond3A_122 = arith.cmpi ne, %convert_element_type3A_120, %cond3A_121 : i32
      scf.if %cond3A_122 {
        %dma_start3A_393 = arith.constant 0 : i32
        %dma_start3A_394 = tpu.memref_slice %arg9[%add3A_117, %dma_start3A_393] : memref<160x64xi32, #tpu.memory_space<vmem>> -> memref<1x64xi32, #tpu.memory_space<vmem>>
        %dma_start3A_395 = tpu.memref_squeeze %dma_start3A_394 : memref<1x64xi32, #tpu.memory_space<vmem>> -> memref<64xi32, #tpu.memory_space<vmem>>
        %dma_start3A_396 = arith.constant 0 : i32
        %dma_start3A_397 = arith.constant 0 : i32
        %dma_start3A_398 = tpu.memref_slice %arg2[%dma_start3A_396, %dma_start3A_397] : memref<10000x128xf32, #tpu.memory_space<hbm>> -> memref<10000x128xf32, #tpu.memory_space<hbm>>
        tpu.enqueue_indirect_dma source(%dma_start3A_398 : memref<10000x128xf32, #tpu.memory_space<hbm>>) target(%arg12 : memref<64x128xf32, #tpu.memory_space<vmem>>) offsets(%dma_start3A_395 : memref<64xi32, #tpu.memory_space<vmem>>) semaphore(%arg14 : memref<!tpu.dma_semaphore, #tpu.memory_space<semaphore_mem>>)
      } else {
      }
      %add3A_123 = arith.constant 2 : i32
      %add3A_124 = arith.addi %add3A_34, %add3A_123 : i32
      %dma_wait3A_125 = arith.constant 0 : i32
      %dma_wait3A_126 = tpu.memref_slice %arg9[%add3A_124, %dma_wait3A_125] : memref<160x64xi32, #tpu.memory_space<vmem>> -> memref<1x64xi32, #tpu.memory_space<vmem>>
      %dma_wait3A_127 = tpu.memref_squeeze %dma_wait3A_126 : memref<1x64xi32, #tpu.memory_space<vmem>> -> memref<64xi32, #tpu.memory_space<vmem>>
      %dma_wait3A_128 = arith.constant 0 : i32
      %dma_wait3A_129 = arith.constant 0 : i32
      %dma_wait3A_130 = tpu.memref_slice %arg2[%dma_wait3A_128, %dma_wait3A_129] : memref<10000x128xf32, #tpu.memory_space<hbm>> -> memref<10000x128xf32, #tpu.memory_space<hbm>>
      tpu.wait_indirect_dma semaphore(%arg13 : memref<!tpu.dma_semaphore, #tpu.memory_space<semaphore_mem>>) src(%dma_wait3A_130 : memref<10000x128xf32, #tpu.memory_space<hbm>>) dst(%arg11 : memref<64x128xf32, #tpu.memory_space<vmem>>)
      %add3A_131 = arith.constant 2 : i32
      %add3A_132 = arith.addi %add3A_34, %add3A_131 : i32
      %dma_start3A_133 = arith.constant 0 : i32
      %dma_start3A_134 = tpu.memref_slice %arg10[%add3A_132, %dma_start3A_133] : memref<160x64xi32, #tpu.memory_space<vmem>> -> memref<1x64xi32, #tpu.memory_space<vmem>>
      %dma_start3A_135 = tpu.memref_squeeze %dma_start3A_134 : memref<1x64xi32, #tpu.memory_space<vmem>> -> memref<64xi32, #tpu.memory_space<vmem>>
      %dma_start3A_136 = arith.constant 0 : i32
      %dma_start3A_137 = arith.constant 0 : i32
      %dma_start3A_138 = tpu.memref_slice %arg17[%dma_start3A_136, %dma_start3A_137] : memref<10240x128xf32, #tpu.memory_space<vmem_shared>> -> memref<10240x128xf32, #tpu.memory_space<vmem_shared>>
      tpu.enqueue_indirect_dma source(%arg11 : memref<64x128xf32, #tpu.memory_space<vmem>>) target(%dma_start3A_138 : memref<10240x128xf32, #tpu.memory_space<vmem_shared>>) offsets(%dma_start3A_135 : memref<64xi32, #tpu.memory_space<vmem>>) semaphore(%arg15 : memref<!tpu.dma_semaphore, #tpu.memory_space<semaphore_mem>>) {add = true}
      %add3A_139 = arith.constant 2 : i32
      %add3A_140 = arith.addi %add3A_34, %add3A_139 : i32
      %get3A_141 = arith.index_cast %add3A_140 : i32 to index
      %get3A_142 = arith.constant 0 : index
      %get3A_143 = tpu.vector_load %arg10[%get3A_141, %get3A_142] {strides = array<i32>} : memref<160x64xi32, #tpu.memory_space<vmem>>, vector<16xi32>,
      tpu.vector_store_idx %arg18[%get3A_143], %broadcast_in_dim3A_3 {add = true} : memref<10240xf32, #tpu.memory_space<vmem>>[vector<16xi32>], vector<16xf32>,
      %get3A_144 = arith.index_cast %add3A_140 : i32 to index
      %get3A_145 = arith.constant 16 : index
      %get3A_146 = tpu.vector_load %arg10[%get3A_144, %get3A_145] {strides = array<i32>} : memref<160x64xi32, #tpu.memory_space<vmem>>, vector<16xi32>,
      tpu.vector_store_idx %arg18[%get3A_146], %broadcast_in_dim3A_3 {add = true} : memref<10240xf32, #tpu.memory_space<vmem>>[vector<16xi32>], vector<16xf32>,
      %get3A_147 = arith.index_cast %add3A_140 : i32 to index
      %get3A_148 = arith.constant 32 : index
      %get3A_149 = tpu.vector_load %arg10[%get3A_147, %get3A_148] {strides = array<i32>} : memref<160x64xi32, #tpu.memory_space<vmem>>, vector<16xi32>,
      tpu.vector_store_idx %arg18[%get3A_149], %broadcast_in_dim3A_3 {add = true} : memref<10240xf32, #tpu.memory_space<vmem>>[vector<16xi32>], vector<16xf32>,
      %get3A_150 = arith.index_cast %add3A_140 : i32 to index
      %get3A_151 = arith.constant 48 : index
      %get3A_152 = tpu.vector_load %arg10[%get3A_150, %get3A_151] {strides = array<i32>} : memref<160x64xi32, #tpu.memory_space<vmem>>, vector<16xi32>,
      tpu.vector_store_idx %arg18[%get3A_152], %broadcast_in_dim3A_3 {add = true} : memref<10240xf32, #tpu.memory_space<vmem>>[vector<16xi32>], vector<16xf32>,
      %dma_wait3A_153 = arith.constant 0 : i32
      %dma_wait3A_154 = tpu.memref_slice %arg10[%add3A_132, %dma_wait3A_153] : memref<160x64xi32, #tpu.memory_space<vmem>> -> memref<1x64xi32, #tpu.memory_space<vmem>>
      %dma_wait3A_155 = tpu.memref_squeeze %dma_wait3A_154 : memref<1x64xi32, #tpu.memory_space<vmem>> -> memref<64xi32, #tpu.memory_space<vmem>>
      %dma_wait3A_156 = arith.constant 0 : i32
      %dma_wait3A_157 = arith.constant 0 : i32
      %dma_wait3A_158 = tpu.memref_slice %arg17[%dma_wait3A_156, %dma_wait3A_157] : memref<10240x128xf32, #tpu.memory_space<vmem_shared>> -> memref<10240x128xf32, #tpu.memory_space<vmem_shared>>
      tpu.wait_indirect_dma semaphore(%arg15 : memref<!tpu.dma_semaphore, #tpu.memory_space<semaphore_mem>>) src(%arg11 : memref<64x128xf32, #tpu.memory_space<vmem>>) dst(%dma_wait3A_158 : memref<10240x128xf32, #tpu.memory_space<vmem_shared>>)
      %add3A_159 = arith.constant 2 : i32
      %add3A_160 = arith.addi %add3A_34, %add3A_159 : i32
      %add3A_161 = arith.constant 2 : i32
      %add3A_162 = arith.addi %add3A_160, %add3A_161 : i32
      %lt3A_163 = arith.constant 160 : i32
      %lt3A_164 = arith.cmpi slt, %add3A_162, %lt3A_163 : i32
      %convert_element_type3A_165 = arith.extui %lt3A_164 : i1 to i32
      %cond3A_166 = arith.constant 0 : i32
      %cond3A_167 = arith.cmpi ne, %convert_element_type3A_165, %cond3A_166 : i32
      scf.if %cond3A_167 {
        %dma_start3A_393 = arith.constant 0 : i32
        %dma_start3A_394 = tpu.memref_slice %arg9[%add3A_162, %dma_start3A_393] : memref<160x64xi32, #tpu.memory_space<vmem>> -> memref<1x64xi32, #tpu.memory_space<vmem>>
        %dma_start3A_395 = tpu.memref_squeeze %dma_start3A_394 : memref<1x64xi32, #tpu.memory_space<vmem>> -> memref<64xi32, #tpu.memory_space<vmem>>
        %dma_start3A_396 = arith.constant 0 : i32
        %dma_start3A_397 = arith.constant 0 : i32
        %dma_start3A_398 = tpu.memref_slice %arg2[%dma_start3A_396, %dma_start3A_397] : memref<10000x128xf32, #tpu.memory_space<hbm>> -> memref<10000x128xf32, #tpu.memory_space<hbm>>
        tpu.enqueue_indirect_dma source(%dma_start3A_398 : memref<10000x128xf32, #tpu.memory_space<hbm>>) target(%arg11 : memref<64x128xf32, #tpu.memory_space<vmem>>) offsets(%dma_start3A_395 : memref<64xi32, #tpu.memory_space<vmem>>) semaphore(%arg13 : memref<!tpu.dma_semaphore, #tpu.memory_space<semaphore_mem>>)
      } else {
      }
      %add3A_168 = arith.constant 3 : i32
      %add3A_169 = arith.addi %add3A_34, %add3A_168 : i32
      %dma_wait3A_170 = arith.constant 0 : i32
      %dma_wait3A_171 = tpu.memref_slice %arg9[%add3A_169, %dma_wait3A_170] : memref<160x64xi32, #tpu.memory_space<vmem>> -> memref<1x64xi32, #tpu.memory_space<vmem>>
      %dma_wait3A_172 = tpu.memref_squeeze %dma_wait3A_171 : memref<1x64xi32, #tpu.memory_space<vmem>> -> memref<64xi32, #tpu.memory_space<vmem>>
      %dma_wait3A_173 = arith.constant 0 : i32
      %dma_wait3A_174 = arith.constant 0 : i32
      %dma_wait3A_175 = tpu.memref_slice %arg2[%dma_wait3A_173, %dma_wait3A_174] : memref<10000x128xf32, #tpu.memory_space<hbm>> -> memref<10000x128xf32, #tpu.memory_space<hbm>>
      tpu.wait_indirect_dma semaphore(%arg14 : memref<!tpu.dma_semaphore, #tpu.memory_space<semaphore_mem>>) src(%dma_wait3A_175 : memref<10000x128xf32, #tpu.memory_space<hbm>>) dst(%arg12 : memref<64x128xf32, #tpu.memory_space<vmem>>)
      %add3A_176 = arith.constant 3 : i32
      %add3A_177 = arith.addi %add3A_34, %add3A_176 : i32
      %dma_start3A_178 = arith.constant 0 : i32
      %dma_start3A_179 = tpu.memref_slice %arg10[%add3A_177, %dma_start3A_178] : memref<160x64xi32, #tpu.memory_space<vmem>> -> memref<1x64xi32, #tpu.memory_space<vmem>>
      %dma_start3A_180 = tpu.memref_squeeze %dma_start3A_179 : memref<1x64xi32, #tpu.memory_space<vmem>> -> memref<64xi32, #tpu.memory_space<vmem>>
      %dma_start3A_181 = arith.constant 0 : i32
      %dma_start3A_182 = arith.constant 0 : i32
      %dma_start3A_183 = tpu.memref_slice %arg17[%dma_start3A_181, %dma_start3A_182] : memref<10240x128xf32, #tpu.memory_space<vmem_shared>> -> memref<10240x128xf32, #tpu.memory_space<vmem_shared>>
      tpu.enqueue_indirect_dma source(%arg12 : memref<64x128xf32, #tpu.memory_space<vmem>>) target(%dma_start3A_183 : memref<10240x128xf32, #tpu.memory_space<vmem_shared>>) offsets(%dma_start3A_180 : memref<64xi32, #tpu.memory_space<vmem>>) semaphore(%arg16 : memref<!tpu.dma_semaphore, #tpu.memory_space<semaphore_mem>>) {add = true}
      %add3A_184 = arith.constant 3 : i32
      %add3A_185 = arith.addi %add3A_34, %add3A_184 : i32
      %get3A_186 = arith.index_cast %add3A_185 : i32 to index
      %get3A_187 = arith.constant 0 : index
      %get3A_188 = tpu.vector_load %arg10[%get3A_186, %get3A_187] {strides = array<i32>} : memref<160x64xi32, #tpu.memory_space<vmem>>, vector<16xi32>,
      tpu.vector_store_idx %arg18[%get3A_188], %broadcast_in_dim3A_3 {add = true} : memref<10240xf32, #tpu.memory_space<vmem>>[vector<16xi32>], vector<16xf32>,
      %get3A_189 = arith.index_cast %add3A_185 : i32 to index
      %get3A_190 = arith.constant 16 : index
      %get3A_191 = tpu.vector_load %arg10[%get3A_189, %get3A_190] {strides = array<i32>} : memref<160x64xi32, #tpu.memory_space<vmem>>, vector<16xi32>,
      tpu.vector_store_idx %arg18[%get3A_191], %broadcast_in_dim3A_3 {add = true} : memref<10240xf32, #tpu.memory_space<vmem>>[vector<16xi32>], vector<16xf32>,
      %get3A_192 = arith.index_cast %add3A_185 : i32 to index
      %get3A_193 = arith.constant 32 : index
      %get3A_194 = tpu.vector_load %arg10[%get3A_192, %get3A_193] {strides = array<i32>} : memref<160x64xi32, #tpu.memory_space<vmem>>, vector<16xi32>,
      tpu.vector_store_idx %arg18[%get3A_194], %broadcast_in_dim3A_3 {add = true} : memref<10240xf32, #tpu.memory_space<vmem>>[vector<16xi32>], vector<16xf32>,
      %get3A_195 = arith.index_cast %add3A_185 : i32 to index
      %get3A_196 = arith.constant 48 : index
      %get3A_197 = tpu.vector_load %arg10[%get3A_195, %get3A_196] {strides = array<i32>} : memref<160x64xi32, #tpu.memory_space<vmem>>, vector<16xi32>,
      tpu.vector_store_idx %arg18[%get3A_197], %broadcast_in_dim3A_3 {add = true} : memref<10240xf32, #tpu.memory_space<vmem>>[vector<16xi32>], vector<16xf32>,
      %dma_wait3A_198 = arith.constant 0 : i32
      %dma_wait3A_199 = tpu.memref_slice %arg10[%add3A_177, %dma_wait3A_198] : memref<160x64xi32, #tpu.memory_space<vmem>> -> memref<1x64xi32, #tpu.memory_space<vmem>>
      %dma_wait3A_200 = tpu.memref_squeeze %dma_wait3A_199 : memref<1x64xi32, #tpu.memory_space<vmem>> -> memref<64xi32, #tpu.memory_space<vmem>>
      %dma_wait3A_201 = arith.constant 0 : i32
      %dma_wait3A_202 = arith.constant 0 : i32
      %dma_wait3A_203 = tpu.memref_slice %arg17[%dma_wait3A_201, %dma_wait3A_202] : memref<10240x128xf32, #tpu.memory_space<vmem_shared>> -> memref<10240x128xf32, #tpu.memory_space<vmem_shared>>
      tpu.wait_indirect_dma semaphore(%arg16 : memref<!tpu.dma_semaphore, #tpu.memory_space<semaphore_mem>>) src(%arg12 : memref<64x128xf32, #tpu.memory_space<vmem>>) dst(%dma_wait3A_203 : memref<10240x128xf32, #tpu.memory_space<vmem_shared>>)
      %add3A_204 = arith.constant 3 : i32
      %add3A_205 = arith.addi %add3A_34, %add3A_204 : i32
      %add3A_206 = arith.constant 2 : i32
      %add3A_207 = arith.addi %add3A_205, %add3A_206 : i32
      %lt3A_208 = arith.constant 160 : i32
      %lt3A_209 = arith.cmpi slt, %add3A_207, %lt3A_208 : i32
      %convert_element_type3A_210 = arith.extui %lt3A_209 : i1 to i32
      %cond3A_211 = arith.constant 0 : i32
      %cond3A_212 = arith.cmpi ne, %convert_element_type3A_210, %cond3A_211 : i32
      scf.if %cond3A_212 {
        %dma_start3A_393 = arith.constant 0 : i32
        %dma_start3A_394 = tpu.memref_slice %arg9[%add3A_207, %dma_start3A_393] : memref<160x64xi32, #tpu.memory_space<vmem>> -> memref<1x64xi32, #tpu.memory_space<vmem>>
        %dma_start3A_395 = tpu.memref_squeeze %dma_start3A_394 : memref<1x64xi32, #tpu.memory_space<vmem>> -> memref<64xi32, #tpu.memory_space<vmem>>
        %dma_start3A_396 = arith.constant 0 : i32
        %dma_start3A_397 = arith.constant 0 : i32
        %dma_start3A_398 = tpu.memref_slice %arg2[%dma_start3A_396, %dma_start3A_397] : memref<10000x128xf32, #tpu.memory_space<hbm>> -> memref<10000x128xf32, #tpu.memory_space<hbm>>
        tpu.enqueue_indirect_dma source(%dma_start3A_398 : memref<10000x128xf32, #tpu.memory_space<hbm>>) target(%arg12 : memref<64x128xf32, #tpu.memory_space<vmem>>) offsets(%dma_start3A_395 : memref<64xi32, #tpu.memory_space<vmem>>) semaphore(%arg14 : memref<!tpu.dma_semaphore, #tpu.memory_space<semaphore_mem>>)
      } else {
      }
      %add3A_213 = arith.constant 4 : i32
      %add3A_214 = arith.addi %add3A_34, %add3A_213 : i32
      %dma_wait3A_215 = arith.constant 0 : i32
      %dma_wait3A_216 = tpu.memref_slice %arg9[%add3A_214, %dma_wait3A_215] : memref<160x64xi32, #tpu.memory_space<vmem>> -> memref<1x64xi32, #tpu.memory_space<vmem>>
      %dma_wait3A_217 = tpu.memref_squeeze %dma_wait3A_216 : memref<1x64xi32, #tpu.memory_space<vmem>> -> memref<64xi32, #tpu.memory_space<vmem>>
      %dma_wait3A_218 = arith.constant 0 : i32
      %dma_wait3A_219 = arith.constant 0 : i32
      %dma_wait3A_220 = tpu.memref_slice %arg2[%dma_wait3A_218, %dma_wait3A_219] : memref<10000x128xf32, #tpu.memory_space<hbm>> -> memref<10000x128xf32, #tpu.memory_space<hbm>>
      tpu.wait_indirect_dma semaphore(%arg13 : memref<!tpu.dma_semaphore, #tpu.memory_space<semaphore_mem>>) src(%dma_wait3A_220 : memref<10000x128xf32, #tpu.memory_space<hbm>>) dst(%arg11 : memref<64x128xf32, #tpu.memory_space<vmem>>)
      %add3A_221 = arith.constant 4 : i32
      %add3A_222 = arith.addi %add3A_34, %add3A_221 : i32
      %dma_start3A_223 = arith.constant 0 : i32
      %dma_start3A_224 = tpu.memref_slice %arg10[%add3A_222, %dma_start3A_223] : memref<160x64xi32, #tpu.memory_space<vmem>> -> memref<1x64xi32, #tpu.memory_space<vmem>>
      %dma_start3A_225 = tpu.memref_squeeze %dma_start3A_224 : memref<1x64xi32, #tpu.memory_space<vmem>> -> memref<64xi32, #tpu.memory_space<vmem>>
      %dma_start3A_226 = arith.constant 0 : i32
      %dma_start3A_227 = arith.constant 0 : i32
      %dma_start3A_228 = tpu.memref_slice %arg17[%dma_start3A_226, %dma_start3A_227] : memref<10240x128xf32, #tpu.memory_space<vmem_shared>> -> memref<10240x128xf32, #tpu.memory_space<vmem_shared>>
      tpu.enqueue_indirect_dma source(%arg11 : memref<64x128xf32, #tpu.memory_space<vmem>>) target(%dma_start3A_228 : memref<10240x128xf32, #tpu.memory_space<vmem_shared>>) offsets(%dma_start3A_225 : memref<64xi32, #tpu.memory_space<vmem>>) semaphore(%arg15 : memref<!tpu.dma_semaphore, #tpu.memory_space<semaphore_mem>>) {add = true}
      %add3A_229 = arith.constant 4 : i32
      %add3A_230 = arith.addi %add3A_34, %add3A_229 : i32
      %get3A_231 = arith.index_cast %add3A_230 : i32 to index
      %get3A_232 = arith.constant 0 : index
      %get3A_233 = tpu.vector_load %arg10[%get3A_231, %get3A_232] {strides = array<i32>} : memref<160x64xi32, #tpu.memory_space<vmem>>, vector<16xi32>,
      tpu.vector_store_idx %arg18[%get3A_233], %broadcast_in_dim3A_3 {add = true} : memref<10240xf32, #tpu.memory_space<vmem>>[vector<16xi32>], vector<16xf32>,
      %get3A_234 = arith.index_cast %add3A_230 : i32 to index
      %get3A_235 = arith.constant 16 : index
      %get3A_236 = tpu.vector_load %arg10[%get3A_234, %get3A_235] {strides = array<i32>} : memref<160x64xi32, #tpu.memory_space<vmem>>, vector<16xi32>,
      tpu.vector_store_idx %arg18[%get3A_236], %broadcast_in_dim3A_3 {add = true} : memref<10240xf32, #tpu.memory_space<vmem>>[vector<16xi32>], vector<16xf32>,
      %get3A_237 = arith.index_cast %add3A_230 : i32 to index
      %get3A_238 = arith.constant 32 : index
      %get3A_239 = tpu.vector_load %arg10[%get3A_237, %get3A_238] {strides = array<i32>} : memref<160x64xi32, #tpu.memory_space<vmem>>, vector<16xi32>,
      tpu.vector_store_idx %arg18[%get3A_239], %broadcast_in_dim3A_3 {add = true} : memref<10240xf32, #tpu.memory_space<vmem>>[vector<16xi32>], vector<16xf32>,
      %get3A_240 = arith.index_cast %add3A_230 : i32 to index
      %get3A_241 = arith.constant 48 : index
      %get3A_242 = tpu.vector_load %arg10[%get3A_240, %get3A_241] {strides = array<i32>} : memref<160x64xi32, #tpu.memory_space<vmem>>, vector<16xi32>,
      tpu.vector_store_idx %arg18[%get3A_242], %broadcast_in_dim3A_3 {add = true} : memref<10240xf32, #tpu.memory_space<vmem>>[vector<16xi32>], vector<16xf32>,
      %dma_wait3A_243 = arith.constant 0 : i32
      %dma_wait3A_244 = tpu.memref_slice %arg10[%add3A_222, %dma_wait3A_243] : memref<160x64xi32, #tpu.memory_space<vmem>> -> memref<1x64xi32, #tpu.memory_space<vmem>>
      %dma_wait3A_245 = tpu.memref_squeeze %dma_wait3A_244 : memref<1x64xi32, #tpu.memory_space<vmem>> -> memref<64xi32, #tpu.memory_space<vmem>>
      %dma_wait3A_246 = arith.constant 0 : i32
      %dma_wait3A_247 = arith.constant 0 : i32
      %dma_wait3A_248 = tpu.memref_slice %arg17[%dma_wait3A_246, %dma_wait3A_247] : memref<10240x128xf32, #tpu.memory_space<vmem_shared>> -> memref<10240x128xf32, #tpu.memory_space<vmem_shared>>
      tpu.wait_indirect_dma semaphore(%arg15 : memref<!tpu.dma_semaphore, #tpu.memory_space<semaphore_mem>>) src(%arg11 : memref<64x128xf32, #tpu.memory_space<vmem>>) dst(%dma_wait3A_248 : memref<10240x128xf32, #tpu.memory_space<vmem_shared>>)
      %add3A_249 = arith.constant 4 : i32
      %add3A_250 = arith.addi %add3A_34, %add3A_249 : i32
      %add3A_251 = arith.constant 2 : i32
      %add3A_252 = arith.addi %add3A_250, %add3A_251 : i32
      %lt3A_253 = arith.constant 160 : i32
      %lt3A_254 = arith.cmpi slt, %add3A_252, %lt3A_253 : i32
      %convert_element_type3A_255 = arith.extui %lt3A_254 : i1 to i32
      %cond3A_256 = arith.constant 0 : i32
      %cond3A_257 = arith.cmpi ne, %convert_element_type3A_255, %cond3A_256 : i32
      scf.if %cond3A_257 {
        %dma_start3A_393 = arith.constant 0 : i32
        %dma_start3A_394 = tpu.memref_slice %arg9[%add3A_252, %dma_start3A_393] : memref<160x64xi32, #tpu.memory_space<vmem>> -> memref<1x64xi32, #tpu.memory_space<vmem>>
        %dma_start3A_395 = tpu.memref_squeeze %dma_start3A_394 : memref<1x64xi32, #tpu.memory_space<vmem>> -> memref<64xi32, #tpu.memory_space<vmem>>
        %dma_start3A_396 = arith.constant 0 : i32
        %dma_start3A_397 = arith.constant 0 : i32
        %dma_start3A_398 = tpu.memref_slice %arg2[%dma_start3A_396, %dma_start3A_397] : memref<10000x128xf32, #tpu.memory_space<hbm>> -> memref<10000x128xf32, #tpu.memory_space<hbm>>
        tpu.enqueue_indirect_dma source(%dma_start3A_398 : memref<10000x128xf32, #tpu.memory_space<hbm>>) target(%arg11 : memref<64x128xf32, #tpu.memory_space<vmem>>) offsets(%dma_start3A_395 : memref<64xi32, #tpu.memory_space<vmem>>) semaphore(%arg13 : memref<!tpu.dma_semaphore, #tpu.memory_space<semaphore_mem>>)
      } else {
      }
      %add3A_258 = arith.constant 5 : i32
      %add3A_259 = arith.addi %add3A_34, %add3A_258 : i32
      %dma_wait3A_260 = arith.constant 0 : i32
      %dma_wait3A_261 = tpu.memref_slice %arg9[%add3A_259, %dma_wait3A_260] : memref<160x64xi32, #tpu.memory_space<vmem>> -> memref<1x64xi32, #tpu.memory_space<vmem>>
      %dma_wait3A_262 = tpu.memref_squeeze %dma_wait3A_261 : memref<1x64xi32, #tpu.memory_space<vmem>> -> memref<64xi32, #tpu.memory_space<vmem>>
      %dma_wait3A_263 = arith.constant 0 : i32
      %dma_wait3A_264 = arith.constant 0 : i32
      %dma_wait3A_265 = tpu.memref_slice %arg2[%dma_wait3A_263, %dma_wait3A_264] : memref<10000x128xf32, #tpu.memory_space<hbm>> -> memref<10000x128xf32, #tpu.memory_space<hbm>>
      tpu.wait_indirect_dma semaphore(%arg14 : memref<!tpu.dma_semaphore, #tpu.memory_space<semaphore_mem>>) src(%dma_wait3A_265 : memref<10000x128xf32, #tpu.memory_space<hbm>>) dst(%arg12 : memref<64x128xf32, #tpu.memory_space<vmem>>)
      %add3A_266 = arith.constant 5 : i32
      %add3A_267 = arith.addi %add3A_34, %add3A_266 : i32
      %dma_start3A_268 = arith.constant 0 : i32
      %dma_start3A_269 = tpu.memref_slice %arg10[%add3A_267, %dma_start3A_268] : memref<160x64xi32, #tpu.memory_space<vmem>> -> memref<1x64xi32, #tpu.memory_space<vmem>>
      %dma_start3A_270 = tpu.memref_squeeze %dma_start3A_269 : memref<1x64xi32, #tpu.memory_space<vmem>> -> memref<64xi32, #tpu.memory_space<vmem>>
      %dma_start3A_271 = arith.constant 0 : i32
      %dma_start3A_272 = arith.constant 0 : i32
      %dma_start3A_273 = tpu.memref_slice %arg17[%dma_start3A_271, %dma_start3A_272] : memref<10240x128xf32, #tpu.memory_space<vmem_shared>> -> memref<10240x128xf32, #tpu.memory_space<vmem_shared>>
      tpu.enqueue_indirect_dma source(%arg12 : memref<64x128xf32, #tpu.memory_space<vmem>>) target(%dma_start3A_273 : memref<10240x128xf32, #tpu.memory_space<vmem_shared>>) offsets(%dma_start3A_270 : memref<64xi32, #tpu.memory_space<vmem>>) semaphore(%arg16 : memref<!tpu.dma_semaphore, #tpu.memory_space<semaphore_mem>>) {add = true}
      %add3A_274 = arith.constant 5 : i32
      %add3A_275 = arith.addi %add3A_34, %add3A_274 : i32
      %get3A_276 = arith.index_cast %add3A_275 : i32 to index
      %get3A_277 = arith.constant 0 : index
      %get3A_278 = tpu.vector_load %arg10[%get3A_276, %get3A_277] {strides = array<i32>} : memref<160x64xi32, #tpu.memory_space<vmem>>, vector<16xi32>,
      tpu.vector_store_idx %arg18[%get3A_278], %broadcast_in_dim3A_3 {add = true} : memref<10240xf32, #tpu.memory_space<vmem>>[vector<16xi32>], vector<16xf32>,
      %get3A_279 = arith.index_cast %add3A_275 : i32 to index
      %get3A_280 = arith.constant 16 : index
      %get3A_281 = tpu.vector_load %arg10[%get3A_279, %get3A_280] {strides = array<i32>} : memref<160x64xi32, #tpu.memory_space<vmem>>, vector<16xi32>,
      tpu.vector_store_idx %arg18[%get3A_281], %broadcast_in_dim3A_3 {add = true} : memref<10240xf32, #tpu.memory_space<vmem>>[vector<16xi32>], vector<16xf32>,
      %get3A_282 = arith.index_cast %add3A_275 : i32 to index
      %get3A_283 = arith.constant 32 : index
      %get3A_284 = tpu.vector_load %arg10[%get3A_282, %get3A_283] {strides = array<i32>} : memref<160x64xi32, #tpu.memory_space<vmem>>, vector<16xi32>,
      tpu.vector_store_idx %arg18[%get3A_284], %broadcast_in_dim3A_3 {add = true} : memref<10240xf32, #tpu.memory_space<vmem>>[vector<16xi32>], vector<16xf32>,
      %get3A_285 = arith.index_cast %add3A_275 : i32 to index
      %get3A_286 = arith.constant 48 : index
      %get3A_287 = tpu.vector_load %arg10[%get3A_285, %get3A_286] {strides = array<i32>} : memref<160x64xi32, #tpu.memory_space<vmem>>, vector<16xi32>,
      tpu.vector_store_idx %arg18[%get3A_287], %broadcast_in_dim3A_3 {add = true} : memref<10240xf32, #tpu.memory_space<vmem>>[vector<16xi32>], vector<16xf32>,
      %dma_wait3A_288 = arith.constant 0 : i32
      %dma_wait3A_289 = tpu.memref_slice %arg10[%add3A_267, %dma_wait3A_288] : memref<160x64xi32, #tpu.memory_space<vmem>> -> memref<1x64xi32, #tpu.memory_space<vmem>>
      %dma_wait3A_290 = tpu.memref_squeeze %dma_wait3A_289 : memref<1x64xi32, #tpu.memory_space<vmem>> -> memref<64xi32, #tpu.memory_space<vmem>>
      %dma_wait3A_291 = arith.constant 0 : i32
      %dma_wait3A_292 = arith.constant 0 : i32
      %dma_wait3A_293 = tpu.memref_slice %arg17[%dma_wait3A_291, %dma_wait3A_292] : memref<10240x128xf32, #tpu.memory_space<vmem_shared>> -> memref<10240x128xf32, #tpu.memory_space<vmem_shared>>
      tpu.wait_indirect_dma semaphore(%arg16 : memref<!tpu.dma_semaphore, #tpu.memory_space<semaphore_mem>>) src(%arg12 : memref<64x128xf32, #tpu.memory_space<vmem>>) dst(%dma_wait3A_293 : memref<10240x128xf32, #tpu.memory_space<vmem_shared>>)
      %add3A_294 = arith.constant 5 : i32
      %add3A_295 = arith.addi %add3A_34, %add3A_294 : i32
      %add3A_296 = arith.constant 2 : i32
      %add3A_297 = arith.addi %add3A_295, %add3A_296 : i32
      %lt3A_298 = arith.constant 160 : i32
      %lt3A_299 = arith.cmpi slt, %add3A_297, %lt3A_298 : i32
      %convert_element_type3A_300 = arith.extui %lt3A_299 : i1 to i32
      %cond3A_301 = arith.constant 0 : i32
      %cond3A_302 = arith.cmpi ne, %convert_element_type3A_300, %cond3A_301 : i32
      scf.if %cond3A_302 {
        %dma_start3A_393 = arith.constant 0 : i32
        %dma_start3A_394 = tpu.memref_slice %arg9[%add3A_297, %dma_start3A_393] : memref<160x64xi32, #tpu.memory_space<vmem>> -> memref<1x64xi32, #tpu.memory_space<vmem>>
        %dma_start3A_395 = tpu.memref_squeeze %dma_start3A_394 : memref<1x64xi32, #tpu.memory_space<vmem>> -> memref<64xi32, #tpu.memory_space<vmem>>
        %dma_start3A_396 = arith.constant 0 : i32
        %dma_start3A_397 = arith.constant 0 : i32
        %dma_start3A_398 = tpu.memref_slice %arg2[%dma_start3A_396, %dma_start3A_397] : memref<10000x128xf32, #tpu.memory_space<hbm>> -> memref<10000x128xf32, #tpu.memory_space<hbm>>
        tpu.enqueue_indirect_dma source(%dma_start3A_398 : memref<10000x128xf32, #tpu.memory_space<hbm>>) target(%arg12 : memref<64x128xf32, #tpu.memory_space<vmem>>) offsets(%dma_start3A_395 : memref<64xi32, #tpu.memory_space<vmem>>) semaphore(%arg14 : memref<!tpu.dma_semaphore, #tpu.memory_space<semaphore_mem>>)
      } else {
      }
      %add3A_303 = arith.constant 6 : i32
      %add3A_304 = arith.addi %add3A_34, %add3A_303 : i32
      %dma_wait3A_305 = arith.constant 0 : i32
      %dma_wait3A_306 = tpu.memref_slice %arg9[%add3A_304, %dma_wait3A_305] : memref<160x64xi32, #tpu.memory_space<vmem>> -> memref<1x64xi32, #tpu.memory_space<vmem>>
      %dma_wait3A_307 = tpu.memref_squeeze %dma_wait3A_306 : memref<1x64xi32, #tpu.memory_space<vmem>> -> memref<64xi32, #tpu.memory_space<vmem>>
      %dma_wait3A_308 = arith.constant 0 : i32
      %dma_wait3A_309 = arith.constant 0 : i32
      %dma_wait3A_310 = tpu.memref_slice %arg2[%dma_wait3A_308, %dma_wait3A_309] : memref<10000x128xf32, #tpu.memory_space<hbm>> -> memref<10000x128xf32, #tpu.memory_space<hbm>>
      tpu.wait_indirect_dma semaphore(%arg13 : memref<!tpu.dma_semaphore, #tpu.memory_space<semaphore_mem>>) src(%dma_wait3A_310 : memref<10000x128xf32, #tpu.memory_space<hbm>>) dst(%arg11 : memref<64x128xf32, #tpu.memory_space<vmem>>)
      %add3A_311 = arith.constant 6 : i32
      %add3A_312 = arith.addi %add3A_34, %add3A_311 : i32
      %dma_start3A_313 = arith.constant 0 : i32
      %dma_start3A_314 = tpu.memref_slice %arg10[%add3A_312, %dma_start3A_313] : memref<160x64xi32, #tpu.memory_space<vmem>> -> memref<1x64xi32, #tpu.memory_space<vmem>>
      %dma_start3A_315 = tpu.memref_squeeze %dma_start3A_314 : memref<1x64xi32, #tpu.memory_space<vmem>> -> memref<64xi32, #tpu.memory_space<vmem>>
      %dma_start3A_316 = arith.constant 0 : i32
      %dma_start3A_317 = arith.constant 0 : i32
      %dma_start3A_318 = tpu.memref_slice %arg17[%dma_start3A_316, %dma_start3A_317] : memref<10240x128xf32, #tpu.memory_space<vmem_shared>> -> memref<10240x128xf32, #tpu.memory_space<vmem_shared>>
      tpu.enqueue_indirect_dma source(%arg11 : memref<64x128xf32, #tpu.memory_space<vmem>>) target(%dma_start3A_318 : memref<10240x128xf32, #tpu.memory_space<vmem_shared>>) offsets(%dma_start3A_315 : memref<64xi32, #tpu.memory_space<vmem>>) semaphore(%arg15 : memref<!tpu.dma_semaphore, #tpu.memory_space<semaphore_mem>>) {add = true}
      %add3A_319 = arith.constant 6 : i32
      %add3A_320 = arith.addi %add3A_34, %add3A_319 : i32
      %get3A_321 = arith.index_cast %add3A_320 : i32 to index
      %get3A_322 = arith.constant 0 : index
      %get3A_323 = tpu.vector_load %arg10[%get3A_321, %get3A_322] {strides = array<i32>} : memref<160x64xi32, #tpu.memory_space<vmem>>, vector<16xi32>,
      tpu.vector_store_idx %arg18[%get3A_323], %broadcast_in_dim3A_3 {add = true} : memref<10240xf32, #tpu.memory_space<vmem>>[vector<16xi32>], vector<16xf32>,
      %get3A_324 = arith.index_cast %add3A_320 : i32 to index
      %get3A_325 = arith.constant 16 : index
      %get3A_326 = tpu.vector_load %arg10[%get3A_324, %get3A_325] {strides = array<i32>} : memref<160x64xi32, #tpu.memory_space<vmem>>, vector<16xi32>,
      tpu.vector_store_idx %arg18[%get3A_326], %broadcast_in_dim3A_3 {add = true} : memref<10240xf32, #tpu.memory_space<vmem>>[vector<16xi32>], vector<16xf32>,
      %get3A_327 = arith.index_cast %add3A_320 : i32 to index
      %get3A_328 = arith.constant 32 : index
      %get3A_329 = tpu.vector_load %arg10[%get3A_327, %get3A_328] {strides = array<i32>} : memref<160x64xi32, #tpu.memory_space<vmem>>, vector<16xi32>,
      tpu.vector_store_idx %arg18[%get3A_329], %broadcast_in_dim3A_3 {add = true} : memref<10240xf32, #tpu.memory_space<vmem>>[vector<16xi32>], vector<16xf32>,
      %get3A_330 = arith.index_cast %add3A_320 : i32 to index
      %get3A_331 = arith.constant 48 : index
      %get3A_332 = tpu.vector_load %arg10[%get3A_330, %get3A_331] {strides = array<i32>} : memref<160x64xi32, #tpu.memory_space<vmem>>, vector<16xi32>,
      tpu.vector_store_idx %arg18[%get3A_332], %broadcast_in_dim3A_3 {add = true} : memref<10240xf32, #tpu.memory_space<vmem>>[vector<16xi32>], vector<16xf32>,
      %dma_wait3A_333 = arith.constant 0 : i32
      %dma_wait3A_334 = tpu.memref_slice %arg10[%add3A_312, %dma_wait3A_333] : memref<160x64xi32, #tpu.memory_space<vmem>> -> memref<1x64xi32, #tpu.memory_space<vmem>>
      %dma_wait3A_335 = tpu.memref_squeeze %dma_wait3A_334 : memref<1x64xi32, #tpu.memory_space<vmem>> -> memref<64xi32, #tpu.memory_space<vmem>>
      %dma_wait3A_336 = arith.constant 0 : i32
      %dma_wait3A_337 = arith.constant 0 : i32
      %dma_wait3A_338 = tpu.memref_slice %arg17[%dma_wait3A_336, %dma_wait3A_337] : memref<10240x128xf32, #tpu.memory_space<vmem_shared>> -> memref<10240x128xf32, #tpu.memory_space<vmem_shared>>
      tpu.wait_indirect_dma semaphore(%arg15 : memref<!tpu.dma_semaphore, #tpu.memory_space<semaphore_mem>>) src(%arg11 : memref<64x128xf32, #tpu.memory_space<vmem>>) dst(%dma_wait3A_338 : memref<10240x128xf32, #tpu.memory_space<vmem_shared>>)
      %add3A_339 = arith.constant 6 : i32
      %add3A_340 = arith.addi %add3A_34, %add3A_339 : i32
      %add3A_341 = arith.constant 2 : i32
      %add3A_342 = arith.addi %add3A_340, %add3A_341 : i32
      %lt3A_343 = arith.constant 160 : i32
      %lt3A_344 = arith.cmpi slt, %add3A_342, %lt3A_343 : i32
      %convert_element_type3A_345 = arith.extui %lt3A_344 : i1 to i32
      %cond3A_346 = arith.constant 0 : i32
      %cond3A_347 = arith.cmpi ne, %convert_element_type3A_345, %cond3A_346 : i32
      scf.if %cond3A_347 {
        %dma_start3A_393 = arith.constant 0 : i32
        %dma_start3A_394 = tpu.memref_slice %arg9[%add3A_342, %dma_start3A_393] : memref<160x64xi32, #tpu.memory_space<vmem>> -> memref<1x64xi32, #tpu.memory_space<vmem>>
        %dma_start3A_395 = tpu.memref_squeeze %dma_start3A_394 : memref<1x64xi32, #tpu.memory_space<vmem>> -> memref<64xi32, #tpu.memory_space<vmem>>
        %dma_start3A_396 = arith.constant 0 : i32
        %dma_start3A_397 = arith.constant 0 : i32
        %dma_start3A_398 = tpu.memref_slice %arg2[%dma_start3A_396, %dma_start3A_397] : memref<10000x128xf32, #tpu.memory_space<hbm>> -> memref<10000x128xf32, #tpu.memory_space<hbm>>
        tpu.enqueue_indirect_dma source(%dma_start3A_398 : memref<10000x128xf32, #tpu.memory_space<hbm>>) target(%arg11 : memref<64x128xf32, #tpu.memory_space<vmem>>) offsets(%dma_start3A_395 : memref<64xi32, #tpu.memory_space<vmem>>) semaphore(%arg13 : memref<!tpu.dma_semaphore, #tpu.memory_space<semaphore_mem>>)
      } else {
      }
      %add3A_348 = arith.constant 7 : i32
      %add3A_349 = arith.addi %add3A_34, %add3A_348 : i32
      %dma_wait3A_350 = arith.constant 0 : i32
      %dma_wait3A_351 = tpu.memref_slice %arg9[%add3A_349, %dma_wait3A_350] : memref<160x64xi32, #tpu.memory_space<vmem>> -> memref<1x64xi32, #tpu.memory_space<vmem>>
      %dma_wait3A_352 = tpu.memref_squeeze %dma_wait3A_351 : memref<1x64xi32, #tpu.memory_space<vmem>> -> memref<64xi32, #tpu.memory_space<vmem>>
      %dma_wait3A_353 = arith.constant 0 : i32
      %dma_wait3A_354 = arith.constant 0 : i32
      %dma_wait3A_355 = tpu.memref_slice %arg2[%dma_wait3A_353, %dma_wait3A_354] : memref<10000x128xf32, #tpu.memory_space<hbm>> -> memref<10000x128xf32, #tpu.memory_space<hbm>>
      tpu.wait_indirect_dma semaphore(%arg14 : memref<!tpu.dma_semaphore, #tpu.memory_space<semaphore_mem>>) src(%dma_wait3A_355 : memref<10000x128xf32, #tpu.memory_space<hbm>>) dst(%arg12 : memref<64x128xf32, #tpu.memory_space<vmem>>)
      %add3A_356 = arith.constant 7 : i32
      %add3A_357 = arith.addi %add3A_34, %add3A_356 : i32
      %dma_start3A_358 = arith.constant 0 : i32
      %dma_start3A_359 = tpu.memref_slice %arg10[%add3A_357, %dma_start3A_358] : memref<160x64xi32, #tpu.memory_space<vmem>> -> memref<1x64xi32, #tpu.memory_space<vmem>>
      %dma_start3A_360 = tpu.memref_squeeze %dma_start3A_359 : memref<1x64xi32, #tpu.memory_space<vmem>> -> memref<64xi32, #tpu.memory_space<vmem>>
      %dma_start3A_361 = arith.constant 0 : i32
      %dma_start3A_362 = arith.constant 0 : i32
      %dma_start3A_363 = tpu.memref_slice %arg17[%dma_start3A_361, %dma_start3A_362] : memref<10240x128xf32, #tpu.memory_space<vmem_shared>> -> memref<10240x128xf32, #tpu.memory_space<vmem_shared>>
      tpu.enqueue_indirect_dma source(%arg12 : memref<64x128xf32, #tpu.memory_space<vmem>>) target(%dma_start3A_363 : memref<10240x128xf32, #tpu.memory_space<vmem_shared>>) offsets(%dma_start3A_360 : memref<64xi32, #tpu.memory_space<vmem>>) semaphore(%arg16 : memref<!tpu.dma_semaphore, #tpu.memory_space<semaphore_mem>>) {add = true}
      %add3A_364 = arith.constant 7 : i32
      %add3A_365 = arith.addi %add3A_34, %add3A_364 : i32
      %get3A_366 = arith.index_cast %add3A_365 : i32 to index
      %get3A_367 = arith.constant 0 : index
      %get3A_368 = tpu.vector_load %arg10[%get3A_366, %get3A_367] {strides = array<i32>} : memref<160x64xi32, #tpu.memory_space<vmem>>, vector<16xi32>,
      tpu.vector_store_idx %arg18[%get3A_368], %broadcast_in_dim3A_3 {add = true} : memref<10240xf32, #tpu.memory_space<vmem>>[vector<16xi32>], vector<16xf32>,
      %get3A_369 = arith.index_cast %add3A_365 : i32 to index
      %get3A_370 = arith.constant 16 : index
      %get3A_371 = tpu.vector_load %arg10[%get3A_369, %get3A_370] {strides = array<i32>} : memref<160x64xi32, #tpu.memory_space<vmem>>, vector<16xi32>,
      tpu.vector_store_idx %arg18[%get3A_371], %broadcast_in_dim3A_3 {add = true} : memref<10240xf32, #tpu.memory_space<vmem>>[vector<16xi32>], vector<16xf32>,
      %get3A_372 = arith.index_cast %add3A_365 : i32 to index
      %get3A_373 = arith.constant 32 : index
      %get3A_374 = tpu.vector_load %arg10[%get3A_372, %get3A_373] {strides = array<i32>} : memref<160x64xi32, #tpu.memory_space<vmem>>, vector<16xi32>,
      tpu.vector_store_idx %arg18[%get3A_374], %broadcast_in_dim3A_3 {add = true} : memref<10240xf32, #tpu.memory_space<vmem>>[vector<16xi32>], vector<16xf32>,
      %get3A_375 = arith.index_cast %add3A_365 : i32 to index
      %get3A_376 = arith.constant 48 : index
      %get3A_377 = tpu.vector_load %arg10[%get3A_375, %get3A_376] {strides = array<i32>} : memref<160x64xi32, #tpu.memory_space<vmem>>, vector<16xi32>,
      tpu.vector_store_idx %arg18[%get3A_377], %broadcast_in_dim3A_3 {add = true} : memref<10240xf32, #tpu.memory_space<vmem>>[vector<16xi32>], vector<16xf32>,
      %dma_wait3A_378 = arith.constant 0 : i32
      %dma_wait3A_379 = tpu.memref_slice %arg10[%add3A_357, %dma_wait3A_378] : memref<160x64xi32, #tpu.memory_space<vmem>> -> memref<1x64xi32, #tpu.memory_space<vmem>>
      %dma_wait3A_380 = tpu.memref_squeeze %dma_wait3A_379 : memref<1x64xi32, #tpu.memory_space<vmem>> -> memref<64xi32, #tpu.memory_space<vmem>>
      %dma_wait3A_381 = arith.constant 0 : i32
      %dma_wait3A_382 = arith.constant 0 : i32
      %dma_wait3A_383 = tpu.memref_slice %arg17[%dma_wait3A_381, %dma_wait3A_382] : memref<10240x128xf32, #tpu.memory_space<vmem_shared>> -> memref<10240x128xf32, #tpu.memory_space<vmem_shared>>
      tpu.wait_indirect_dma semaphore(%arg16 : memref<!tpu.dma_semaphore, #tpu.memory_space<semaphore_mem>>) src(%arg12 : memref<64x128xf32, #tpu.memory_space<vmem>>) dst(%dma_wait3A_383 : memref<10240x128xf32, #tpu.memory_space<vmem_shared>>)
      %add3A_384 = arith.constant 7 : i32
      %add3A_385 = arith.addi %add3A_34, %add3A_384 : i32
      %add3A_386 = arith.constant 2 : i32
      %add3A_387 = arith.addi %add3A_385, %add3A_386 : i32
      %lt3A_388 = arith.constant 160 : i32
      %lt3A_389 = arith.cmpi slt, %add3A_387, %lt3A_388 : i32
      %convert_element_type3A_390 = arith.extui %lt3A_389 : i1 to i32
      %cond3A_391 = arith.constant 0 : i32
      %cond3A_392 = arith.cmpi ne, %convert_element_type3A_390, %cond3A_391 : i32
      scf.if %cond3A_392 {
        %dma_start3A_393 = arith.constant 0 : i32
        %dma_start3A_394 = tpu.memref_slice %arg9[%add3A_387, %dma_start3A_393] : memref<160x64xi32, #tpu.memory_space<vmem>> -> memref<1x64xi32, #tpu.memory_space<vmem>>
        %dma_start3A_395 = tpu.memref_squeeze %dma_start3A_394 : memref<1x64xi32, #tpu.memory_space<vmem>> -> memref<64xi32, #tpu.memory_space<vmem>>
        %dma_start3A_396 = arith.constant 0 : i32
        %dma_start3A_397 = arith.constant 0 : i32
        %dma_start3A_398 = tpu.memref_slice %arg2[%dma_start3A_396, %dma_start3A_397] : memref<10000x128xf32, #tpu.memory_space<hbm>> -> memref<10000x128xf32, #tpu.memory_space<hbm>>
        tpu.enqueue_indirect_dma source(%dma_start3A_398 : memref<10000x128xf32, #tpu.memory_space<hbm>>) target(%arg12 : memref<64x128xf32, #tpu.memory_space<vmem>>) offsets(%dma_start3A_395 : memref<64xi32, #tpu.memory_space<vmem>>) semaphore(%arg14 : memref<!tpu.dma_semaphore, #tpu.memory_space<semaphore_mem>>)
      } else {
      }
    }
    %scan3A_20 = arith.constant 20 : i32
    %barrier3A_21 = arith.constant 0 : index
    tpu.barrier barrier_id(%barrier3A_21)
    %mul3A_22 = arith.constant 640 : i32
    %mul3A_23 = arith.muli %arg1, %mul3A_22 : i32
    "tpu.region"() ({
      %run_scoped3A = tpu.sem_alloc : memref<!tpu.dma_semaphore, #tpu.memory_space<semaphore_mem>>
      %dma_start3A_30 = arith.constant 0 : i32
      %dma_start3A_31 = tpu.memref_slice %arg8[%add3A, %dma_start3A_30] : memref<32x10240xf32, #tpu.memory_space<hbm>> -> memref<1x10240xf32, #tpu.memory_space<hbm>>
      %dma_start3A_32 = tpu.memref_squeeze %dma_start3A_31 : memref<1x10240xf32, #tpu.memory_space<hbm>> -> memref<10240xf32, #tpu.memory_space<hbm>>
      %dma_start3A_33 = arith.constant 0 : i32
      %dma_start3A_34 = tpu.memref_slice %arg8[%add3A, %dma_start3A_33] : memref<32x10240xf32, #tpu.memory_space<hbm>> -> memref<1x10240xf32, #tpu.memory_space<hbm>>
      %dma_start3A_35 = tpu.memref_squeeze %dma_start3A_34 : memref<1x10240xf32, #tpu.memory_space<hbm>> -> memref<10240xf32, #tpu.memory_space<hbm>>
      tpu.enqueue_dma source(%arg18 : memref<10240xf32, #tpu.memory_space<vmem>>) target(%dma_start3A_35 : memref<10240xf32, #tpu.memory_space<hbm>>) target_semaphore(%run_scoped3A : memref<!tpu.dma_semaphore, #tpu.memory_space<semaphore_mem>>)
      %dma_wait3A = arith.constant 0 : i32
      %dma_wait3A_36 = tpu.memref_slice %arg8[%add3A, %dma_wait3A] : memref<32x10240xf32, #tpu.memory_space<hbm>> -> memref<1x10240xf32, #tpu.memory_space<hbm>>
      %dma_wait3A_37 = tpu.memref_squeeze %dma_wait3A_36 : memref<1x10240xf32, #tpu.memory_space<hbm>> -> memref<10240xf32, #tpu.memory_space<hbm>>
      %dma_wait3A_38 = arith.constant 0 : i32
      %dma_wait3A_39 = tpu.memref_slice %arg8[%add3A, %dma_wait3A_38] : memref<32x10240xf32, #tpu.memory_space<hbm>> -> memref<1x10240xf32, #tpu.memory_space<hbm>>
      %dma_wait3A_40 = tpu.memref_squeeze %dma_wait3A_39 : memref<1x10240xf32, #tpu.memory_space<hbm>> -> memref<10240xf32, #tpu.memory_space<hbm>>
      tpu.wait_dma2 semaphore(%run_scoped3A : memref<!tpu.dma_semaphore, #tpu.memory_space<semaphore_mem>>) src(%arg18 : memref<10240xf32, #tpu.memory_space<vmem>>) dst(%dma_wait3A_40 : memref<10240xf32, #tpu.memory_space<hbm>>)
      tpu.yield
    }) : () -> ()
    %lt3A = arith.constant 15 : i32
    %lt3A_24 = arith.cmpi slt, %arg1, %lt3A : i32
    %convert_element_type3A = arith.extui %lt3A_24 : i1 to i32
    %cond3A = arith.constant 0 : i32
    %cond3A_25 = arith.cmpi ne, %convert_element_type3A, %cond3A : i32
    scf.if %cond3A_25 {
      "tpu.region"() ({
        %run_scoped3A = tpu.sem_alloc : memref<!tpu.dma_semaphore, #tpu.memory_space<semaphore_mem>>
        %dma_start3A_30 = arith.constant 0 : i32
        %dma_start3A_31 = tpu.memref_slice %arg7[%arg0, %mul3A_23, %dma_start3A_30] : memref<2x10000x128xf32, #tpu.memory_space<hbm>> -> memref<1x640x128xf32, #tpu.memory_space<hbm>>
        %dma_start3A_32 = tpu.memref_squeeze %dma_start3A_31 : memref<1x640x128xf32, #tpu.memory_space<hbm>> -> memref<640x128xf32, #tpu.memory_space<hbm>>
        %dma_start3A_33 = arith.constant 0 : i32
        %dma_start3A_34 = tpu.memref_slice %arg17[%mul3A_23, %dma_start3A_33] : memref<10240x128xf32, #tpu.memory_space<vmem_shared>> -> memref<640x128xf32, #tpu.memory_space<vmem_shared>>
        tpu.enqueue_dma source(%dma_start3A_34 : memref<640x128xf32, #tpu.memory_space<vmem_shared>>) target(%dma_start3A_32 : memref<640x128xf32, #tpu.memory_space<hbm>>) target_semaphore(%run_scoped3A : memref<!tpu.dma_semaphore, #tpu.memory_space<semaphore_mem>>)
        %dma_wait3A = arith.constant 0 : i32
        %dma_wait3A_35 = tpu.memref_slice %arg7[%arg0, %mul3A_23, %dma_wait3A] : memref<2x10000x128xf32, #tpu.memory_space<hbm>> -> memref<1x640x128xf32, #tpu.memory_space<hbm>>
        %dma_wait3A_36 = tpu.memref_squeeze %dma_wait3A_35 : memref<1x640x128xf32, #tpu.memory_space<hbm>> -> memref<640x128xf32, #tpu.memory_space<hbm>>
        %dma_wait3A_37 = arith.constant 0 : i32
        %dma_wait3A_38 = tpu.memref_slice %arg17[%mul3A_23, %dma_wait3A_37] : memref<10240x128xf32, #tpu.memory_space<vmem_shared>> -> memref<640x128xf32, #tpu.memory_space<vmem_shared>>
        tpu.wait_dma2 semaphore(%run_scoped3A : memref<!tpu.dma_semaphore, #tpu.memory_space<semaphore_mem>>) src(%dma_wait3A_38 : memref<640x128xf32, #tpu.memory_space<vmem_shared>>) dst(%dma_wait3A_36 : memref<640x128xf32, #tpu.memory_space<hbm>>)
        tpu.yield
      }) : () -> ()
    } else {
    }
    %eq3A = arith.constant 15 : i32
    %eq3A_26 = arith.cmpi eq, %arg1, %eq3A : i32
    %convert_element_type3A_27 = arith.extui %eq3A_26 : i1 to i32
    %cond3A_28 = arith.constant 0 : i32
    %cond3A_29 = arith.cmpi ne, %convert_element_type3A_27, %cond3A_28 : i32
    scf.if %cond3A_29 {
      "tpu.region"() ({
        %run_scoped3A = tpu.sem_alloc : memref<!tpu.dma_semaphore, #tpu.memory_space<semaphore_mem>>
        %dma_start3A_30 = arith.constant 9600 : i32
        %dma_start3A_31 = arith.constant 0 : i32
        %dma_start3A_32 = tpu.memref_slice %arg7[%arg0, %dma_start3A_30, %dma_start3A_31] : memref<2x10000x128xf32, #tpu.memory_space<hbm>> -> memref<1x400x128xf32, #tpu.memory_space<hbm>>
        %dma_start3A_33 = tpu.memref_squeeze %dma_start3A_32 : memref<1x400x128xf32, #tpu.memory_space<hbm>> -> memref<400x128xf32, #tpu.memory_space<hbm>>
        %dma_start3A_34 = arith.constant 9600 : i32
        %dma_start3A_35 = arith.constant 0 : i32
        %dma_start3A_36 = tpu.memref_slice %arg17[%dma_start3A_34, %dma_start3A_35] : memref<10240x128xf32, #tpu.memory_space<vmem_shared>> -> memref<400x128xf32, #tpu.memory_space<vmem_shared>>
        tpu.enqueue_dma source(%dma_start3A_36 : memref<400x128xf32, #tpu.memory_space<vmem_shared>>) target(%dma_start3A_33 : memref<400x128xf32, #tpu.memory_space<hbm>>) target_semaphore(%run_scoped3A : memref<!tpu.dma_semaphore, #tpu.memory_space<semaphore_mem>>)
        %dma_wait3A = arith.constant 9600 : i32
        %dma_wait3A_37 = arith.constant 0 : i32
        %dma_wait3A_38 = tpu.memref_slice %arg7[%arg0, %dma_wait3A, %dma_wait3A_37] : memref<2x10000x128xf32, #tpu.memory_space<hbm>> -> memref<1x400x128xf32, #tpu.memory_space<hbm>>
        %dma_wait3A_39 = tpu.memref_squeeze %dma_wait3A_38 : memref<1x400x128xf32, #tpu.memory_space<hbm>> -> memref<400x128xf32, #tpu.memory_space<hbm>>
        %dma_wait3A_40 = arith.constant 9600 : i32
        %dma_wait3A_41 = arith.constant 0 : i32
        %dma_wait3A_42 = tpu.memref_slice %arg17[%dma_wait3A_40, %dma_wait3A_41] : memref<10240x128xf32, #tpu.memory_space<vmem_shared>> -> memref<400x128xf32, #tpu.memory_space<vmem_shared>>
        tpu.wait_dma2 semaphore(%run_scoped3A : memref<!tpu.dma_semaphore, #tpu.memory_space<semaphore_mem>>) src(%dma_wait3A_42 : memref<400x128xf32, #tpu.memory_space<vmem_shared>>) dst(%dma_wait3A_39 : memref<400x128xf32, #tpu.memory_space<hbm>>)
        tpu.yield
      }) : () -> ()
    } else {
    }
    return
  }
}

module attributes {stable_mosaic.version = 14 : i64} {
  func.func @_layer1_body(%arg0: i32, %arg1: memref<2x2048x128xf32, #tpu.memory_space<vmem>>, %arg2: memref<32x2048xf32, #tpu.memory_space<vmem>>, %arg3: memref<128x128xf32, #tpu.memory_space<vmem>>, %arg4: memref<1x128xf32, #tpu.memory_space<vmem>>, %arg5: memref<128x64xf32, #tpu.memory_space<vmem>>, %arg6: memref<2048x64xf32, #tpu.memory_space<vmem>>) attributes {dimension_semantics = [#tpu.dimension_semantics<arbitrary>], iteration_bounds = array<i64: 5>, scalar_prefetch = 0 : i64, scratch_operands = 0 : i64, tpu.core_type = #tpu.core_type<tc>, window_params = [{transform_indices = @transform_0, window_bounds = array<i64: 2, 2048, 128>}, {transform_indices = @transform_1, window_bounds = array<i64: 32, 2048>}, {pipeline_mode = #tpu.pipeline_mode<synchronous>, transform_indices = @transform_2, window_bounds = array<i64: 128, 128>}, {pipeline_mode = #tpu.pipeline_mode<synchronous>, transform_indices = @transform_3, window_bounds = array<i64: 1, 128>}, {pipeline_mode = #tpu.pipeline_mode<synchronous>, transform_indices = @transform_4, window_bounds = array<i64: 128, 64>}, {transform_indices = @transform_5, window_bounds = array<i64: 2048, 64>}]} {
    %get3A = arith.constant 0 : index
    %get3A_0 = arith.constant 0 : index
    %get3A_1 = arith.constant 0 : index
    %get3A_2 = vector.load %arg1[%get3A, %get3A_0, %get3A_1] : memref<2x2048x128xf32, #tpu.memory_space<vmem>>, vector<1x2048x128xf32>
    %get3A_3 = vector.shape_cast %get3A_2 : vector<1x2048x128xf32> to vector<2048x128xf32>
    %get3A_4 = arith.constant 1 : index
    %get3A_5 = arith.constant 0 : index
    %get3A_6 = arith.constant 0 : index
    %get3A_7 = vector.load %arg1[%get3A_4, %get3A_5, %get3A_6] : memref<2x2048x128xf32, #tpu.memory_space<vmem>>, vector<1x2048x128xf32>
    %get3A_8 = vector.shape_cast %get3A_7 : vector<1x2048x128xf32> to vector<2048x128xf32>
    %add3A = arith.addf %get3A_3, %get3A_8 : vector<2048x128xf32>
    %get3A_9 = arith.constant 0 : index
    %get3A_10 = arith.constant 0 : index
    %get3A_11 = vector.load %arg2[%get3A_9, %get3A_10] : memref<32x2048xf32, #tpu.memory_space<vmem>>, vector<32x2048xf32>
    %reduce_sum3A = arith.constant dense<0.000000e+00> : vector<2048xf32>
    %reduce_sum3A_12 = vector.multi_reduction <add>, %get3A_11, %reduce_sum3A [0] : vector<32x2048xf32> to vector<2048xf32>
    %broadcast_in_dim3A = vector.shape_cast %reduce_sum3A_12 : vector<2048xf32> to vector<2048x1xf32>
    %add3A_13 = arith.constant 9.99999997E-7 : f32
    %add3A_14 = vector.broadcast %add3A_13 : f32 to vector<2048x1xf32>
    %add3A_15 = arith.addf %broadcast_in_dim3A, %add3A_14 : vector<2048x1xf32>
    %div3A = vector.broadcast %add3A_15 : vector<2048x1xf32> to vector<2048x128xf32>
    %div3A_16 = arith.divf %add3A, %div3A : vector<2048x128xf32>
    %get3A_17 = arith.constant 0 : index
    %get3A_18 = arith.constant 0 : index
    %get3A_19 = vector.load %arg3[%get3A_17, %get3A_18] : memref<128x128xf32, #tpu.memory_space<vmem>>, vector<128x128xf32>
    %dot_general3A = arith.constant dense<0.000000e+00> : vector<2048x128xf32>
    %dot_general3A_20 = tpu.matmul %div3A_16, %get3A_19, %dot_general3A {dimension_numbers = #tpu.dot_dimension_numbers<[1], [0], [0], [1], [0, 0, 1, 1], [], []>, transpose_lhs_hint = false} : vector<2048x128xf32>, vector<128x128xf32>, vector<2048x128xf32> -> vector<2048x128xf32>
    %get3A_21 = arith.constant 0 : index
    %get3A_22 = arith.constant 0 : index
    %get3A_23 = vector.load %arg4[%get3A_21, %get3A_22] : memref<1x128xf32, #tpu.memory_space<vmem>>, vector<1x128xf32>
    %add3A_24 = vector.broadcast %get3A_23 : vector<1x128xf32> to vector<2048x128xf32>
    %add3A_25 = arith.addf %dot_general3A_20, %add3A_24 : vector<2048x128xf32>
    %max3A = arith.constant 0.000000e+00 : f32
    %max3A_26 = vector.broadcast %max3A : f32 to vector<2048x128xf32>
    %max3A_27 = arith.maximumf %add3A_25, %max3A_26 : vector<2048x128xf32>
    %get3A_28 = arith.constant 0 : index
    %get3A_29 = arith.constant 0 : index
    %get3A_30 = vector.load %arg5[%get3A_28, %get3A_29] : memref<128x64xf32, #tpu.memory_space<vmem>>, vector<128x64xf32>
    %dot_general3A_31 = arith.constant dense<0.000000e+00> : vector<2048x64xf32>
    %dot_general3A_32 = tpu.matmul %max3A_27, %get3A_30, %dot_general3A_31 {dimension_numbers = #tpu.dot_dimension_numbers<[1], [0], [0], [1], [0, 0, 1, 1], [], []>, transpose_lhs_hint = false} : vector<2048x128xf32>, vector<128x64xf32>, vector<2048x64xf32> -> vector<2048x64xf32>
    %swap3A = arith.constant 0 : index
    %swap3A_33 = arith.constant 0 : index
    %swap3A_34 = vector.load %arg6[%swap3A, %swap3A_33] : memref<2048x64xf32, #tpu.memory_space<vmem>>, vector<2048x64xf32>
    tpu.vector_store %arg6[%swap3A, %swap3A_33], %dot_general3A_32 {strides = array<i32>} : memref<2048x64xf32, #tpu.memory_space<vmem>>, vector<2048x64xf32>,
    return
  }
  func.func @transform_0(%arg0: i32) -> (i32, i32, i32) {
    %c0_i32 = arith.constant 0 : i32
    %c0_i32_0 = arith.constant 0 : i32
    %c0_i32_1 = arith.constant 0 : i32
    return %c0_i32, %arg0, %c0_i32_0 : i32, i32, i32
  }
  func.func @transform_1(%arg0: i32) -> (i32, i32) {
    %c0_i32 = arith.constant 0 : i32
    %c0_i32_0 = arith.constant 0 : i32
    return %c0_i32, %arg0 : i32, i32
  }
  func.func @transform_2(%arg0: i32) -> (i32, i32) {
    %c0_i32 = arith.constant 0 : i32
    %c0_i32_0 = arith.constant 0 : i32
    %c0_i32_1 = arith.constant 0 : i32
    return %c0_i32, %c0_i32_0 : i32, i32
  }
  func.func @transform_3(%arg0: i32) -> (i32, i32) {
    %c0_i32 = arith.constant 0 : i32
    %c0_i32_0 = arith.constant 0 : i32
    %c0_i32_1 = arith.constant 0 : i32
    return %c0_i32, %c0_i32_0 : i32, i32
  }
  func.func @transform_4(%arg0: i32) -> (i32, i32) {
    %c0_i32 = arith.constant 0 : i32
    %c0_i32_0 = arith.constant 0 : i32
    %c0_i32_1 = arith.constant 0 : i32
    return %c0_i32, %c0_i32_0 : i32, i32
  }
  func.func @transform_5(%arg0: i32) -> (i32, i32) {
    %c0_i32 = arith.constant 0 : i32
    %c0_i32_0 = arith.constant 0 : i32
    return %arg0, %c0_i32 : i32, i32
  }
}

module attributes {stable_mosaic.version = 14 : i64} {
  func.func @_layer2_body(%arg0: i32, %arg1: memref<2x2048x64xf32, #tpu.memory_space<vmem>>, %arg2: memref<32x2048xf32, #tpu.memory_space<vmem>>, %arg3: memref<1x64xf32, #tpu.memory_space<vmem>>, %arg4: memref<2048x64xf32, #tpu.memory_space<vmem>>) attributes {dimension_semantics = [#tpu.dimension_semantics<arbitrary>], iteration_bounds = array<i64: 5>, scalar_prefetch = 0 : i64, scratch_operands = 0 : i64, tpu.core_type = #tpu.core_type<tc>, window_params = [{transform_indices = @transform_0, window_bounds = array<i64: 2, 2048, 64>}, {transform_indices = @transform_1, window_bounds = array<i64: 32, 2048>}, {pipeline_mode = #tpu.pipeline_mode<synchronous>, transform_indices = @transform_2, window_bounds = array<i64: 1, 64>}, {transform_indices = @transform_3, window_bounds = array<i64: 2048, 64>}]} {
    %get3A = arith.constant 0 : index
    %get3A_0 = arith.constant 0 : index
    %get3A_1 = arith.constant 0 : index
    %get3A_2 = vector.load %arg1[%get3A, %get3A_0, %get3A_1] : memref<2x2048x64xf32, #tpu.memory_space<vmem>>, vector<1x2048x64xf32>
    %get3A_3 = vector.shape_cast %get3A_2 : vector<1x2048x64xf32> to vector<2048x64xf32>
    %get3A_4 = arith.constant 1 : index
    %get3A_5 = arith.constant 0 : index
    %get3A_6 = arith.constant 0 : index
    %get3A_7 = vector.load %arg1[%get3A_4, %get3A_5, %get3A_6] : memref<2x2048x64xf32, #tpu.memory_space<vmem>>, vector<1x2048x64xf32>
    %get3A_8 = vector.shape_cast %get3A_7 : vector<1x2048x64xf32> to vector<2048x64xf32>
    %add3A = arith.addf %get3A_3, %get3A_8 : vector<2048x64xf32>
    %get3A_9 = arith.constant 0 : index
    %get3A_10 = arith.constant 0 : index
    %get3A_11 = vector.load %arg2[%get3A_9, %get3A_10] : memref<32x2048xf32, #tpu.memory_space<vmem>>, vector<32x2048xf32>
    %reduce_sum3A = arith.constant dense<0.000000e+00> : vector<2048xf32>
    %reduce_sum3A_12 = vector.multi_reduction <add>, %get3A_11, %reduce_sum3A [0] : vector<32x2048xf32> to vector<2048xf32>
    %broadcast_in_dim3A = vector.shape_cast %reduce_sum3A_12 : vector<2048xf32> to vector<2048x1xf32>
    %add3A_13 = arith.constant 9.99999997E-7 : f32
    %add3A_14 = vector.broadcast %add3A_13 : f32 to vector<2048x1xf32>
    %add3A_15 = arith.addf %broadcast_in_dim3A, %add3A_14 : vector<2048x1xf32>
    %div3A = vector.broadcast %add3A_15 : vector<2048x1xf32> to vector<2048x64xf32>
    %div3A_16 = arith.divf %add3A, %div3A : vector<2048x64xf32>
    %get3A_17 = arith.constant 0 : index
    %get3A_18 = arith.constant 0 : index
    %get3A_19 = vector.load %arg3[%get3A_17, %get3A_18] : memref<1x64xf32, #tpu.memory_space<vmem>>, vector<1x64xf32>
    %add3A_20 = vector.broadcast %get3A_19 : vector<1x64xf32> to vector<2048x64xf32>
    %add3A_21 = arith.addf %div3A_16, %add3A_20 : vector<2048x64xf32>
    %reduce_max3A = arith.constant dense<0xFF800000> : vector<2048xf32>
    %reduce_max3A_22 = vector.multi_reduction <maximumf>, %add3A_21, %reduce_max3A [1] : vector<2048x64xf32> to vector<2048xf32>
    %broadcast_in_dim3A_23 = vector.shape_cast %reduce_max3A_22 : vector<2048xf32> to vector<2048x1xf32>
    %sub3A = vector.broadcast %broadcast_in_dim3A_23 : vector<2048x1xf32> to vector<2048x64xf32>
    %sub3A_24 = arith.subf %add3A_21, %sub3A : vector<2048x64xf32>
    %exp3A = math.exp %sub3A_24 : vector<2048x64xf32>
    %reduce_sum3A_25 = arith.constant dense<0.000000e+00> : vector<2048xf32>
    %reduce_sum3A_26 = vector.multi_reduction <add>, %exp3A, %reduce_sum3A_25 [1] : vector<2048x64xf32> to vector<2048xf32>
    %broadcast_in_dim3A_27 = vector.shape_cast %reduce_sum3A_26 : vector<2048xf32> to vector<2048x1xf32>
    %log3A = math.log %broadcast_in_dim3A_27 : vector<2048x1xf32>
    %add3A_28 = arith.addf %log3A, %broadcast_in_dim3A_23 : vector<2048x1xf32>
    %sub3A_29 = vector.broadcast %add3A_28 : vector<2048x1xf32> to vector<2048x64xf32>
    %sub3A_30 = arith.subf %add3A_21, %sub3A_29 : vector<2048x64xf32>
    %swap3A = arith.constant 0 : index
    %swap3A_31 = arith.constant 0 : index
    %swap3A_32 = vector.load %arg4[%swap3A, %swap3A_31] : memref<2048x64xf32, #tpu.memory_space<vmem>>, vector<2048x64xf32>
    tpu.vector_store %arg4[%swap3A, %swap3A_31], %sub3A_30 {strides = array<i32>} : memref<2048x64xf32, #tpu.memory_space<vmem>>, vector<2048x64xf32>,
    return
  }
  func.func @transform_0(%arg0: i32) -> (i32, i32, i32) {
    %c0_i32 = arith.constant 0 : i32
    %c0_i32_0 = arith.constant 0 : i32
    %c0_i32_1 = arith.constant 0 : i32
    return %c0_i32, %arg0, %c0_i32_0 : i32, i32, i32
  }
  func.func @transform_1(%arg0: i32) -> (i32, i32) {
    %c0_i32 = arith.constant 0 : i32
    %c0_i32_0 = arith.constant 0 : i32
    return %c0_i32, %arg0 : i32, i32
  }
  func.func @transform_2(%arg0: i32) -> (i32, i32) {
    %c0_i32 = arith.constant 0 : i32
    %c0_i32_0 = arith.constant 0 : i32
    %c0_i32_1 = arith.constant 0 : i32
    return %c0_i32, %c0_i32_0 : i32, i32
  }
  func.func @transform_3(%arg0: i32) -> (i32, i32) {
    %c0_i32 = arith.constant 0 : i32
    %c0_i32_0 = arith.constant 0 : i32
    return %arg0, %c0_i32 : i32, i32
  }
}

</mosaic_0001>

<sc_bundles>
// kernel: kernel.6.cloned.1.call-start
scs
__scs_entry_jumppad:
0x0: {  	(pc) =	sbr.rel $0x88, $3  }
0x1: {  	(tag) =	ssettag $0x0;
	lr =	simm.s32 $0x1  }
0x2: {  	[smem:$0x3F9B] =	sst lr;
	_ =	strace $0xD0000000  }
0x3: {  	_ = 	snop  }
0x4: {  	_ = 	snop  }
0x5: {  	_ = 	snop  }
0x6: {  	_ = 	snop  }
0x7: {  	_ = 	snop  }
__scs_overlays_trampoline_lowered:
0x8: {  	[smem:$0x3FAA] =	sst s0  }
0x9: {  	[smem:$0x3FAB] =	sst s1  }
0xa: {  	[smem:$0x3FAC] =	sst s2  }
0xb: {  	[smem:$0x3FAD] =	sst s3  }
0xc: {  	[smem:$0x3FAE] =	sst s4  }
0xd: {  	[smem:$0x3FAF] =	sst s5  }
0xe: {  	[smem:$0x3FB0] =	sst s6  }
0xf: {  	[smem:$0x3FB1] =	sst s7  }
0x10: {  	[smem:$0x3FB2] =	sst s8  }
0x11: {  	[smem:$0x3FB3] =	sst s9;
	s0 =	simm.s32 @!p0 $0x0  }
0x12: {  	s1 =	sld [smem:$0x3F99];
	s0 =	simm.s32 @p0 $0x1  }
0x13: {  	[smem:$0x3FB4] =	sst s0;
	s0 =	simm.s32 @!p1 $0x0  }
0x14: {  	s2 =	sld [smem:$0x3F98];
	s0 =	simm.s32 @p1 $0x1  }
0x15: {  	[smem:$0x3FB5] =	sst s0;
	s0 =	simm.s32 @!p2 $0x0  }
0x16: {  	s3 =	sld [smem:$0x3FDB];
	s0 =	simm.s32 @p2 $0x1  }
0x17: {  	s4 =	simm.s32 $0x1BF5;
	[smem:$0x3FB7] =	sst s0  }
0x18: {  	s0 =	sld [smem:$0x3F9A];
	_ =	swait.ge [sflag:s4], $0x0  }
0x19: {  	s7 =	sld [smem:$0x3F9B]  }
0x1a: {  	s8 =	sadd.s32 $0xFFFFE003, lr  }
0x1b: {  	s9 =	sadd.s32 $0xFFFFFEF7, lr;
	s5 =	simm.s32 $0xFFFFFFFF;
	p2 =	slt.u32 s8, $0xFFFFF086  }
0x1c: {  	p1 =	slt.u32 s9, $0xF7A;
	s5 =	simm.s32 @!p2 $0x0  }
0x1d: {  	s5 =	simm.s32 @p1 $0x1;
	p0 =	seq.s32 s7, s2  }
0x1e: {  	s7 =	smul.u32 @!p0 $0xF7A, s2;
	p2 =	seq.s32 @!p0 s5, $0x0  }
0x1f: {  	s9 =	smul.u32 $0xF7A, s1;
	s8 =	simm.s32 @!p0 $0x1BF5;
	p2 =	por !p2, p0  }
0x20: {  	[sflag:s8] =	ssyncset.s32 @!p0 $0xFFFFF086;
	s6 =	sadd.s32 @!p0 s3, s7;
	s7 =	simm.s32 @!p0 $0x108  }
0x21: {  	s3 =	sadd.s32 s3, s9;
	s6 =	sadd.s32 @!p0 $0x88, s6;
	s7 =	simm.s32 @p2 $0x1082  }
0x22: {  	[simem:s7], [sflag:s8] =	dma.local @!p0 [hbm:s6], $0xF7A  }
0x23: {  	s9 =	sor.u32 $0xD0000000, s2;
	s6 =	simm.s32 $0x108;
	_ =	swait.ge @!p0 [sflag:s8], $0x0  }
0x24: {  	s3 =	sadd.s32 $0x88, s3;
	s6 =	simm.s32 @!p1 $0x1082;
	[sflag:s4] =	ssyncset.s32 $0xFFFFF086  }
0x25: {  	[simem:s6], [sflag:s4] =	dma.local [hbm:s3], $0xF7A  }
0x26: {  	[smem:$0x3F9B] =	sst s1;
	(tag) =	ssettag s2;
	_ =	strace s9  }
0x27: {  	s1 =	sld [smem:$0x3FAB]  }
0x28: {  	s2 =	sld [smem:$0x3FAC]  }
0x29: {  	s4 =	sld [smem:$0x3FAE]  }
0x2a: {  	p0 =	seq.s32 s5, $0x0;
	s5 =	sld [smem:$0x3FAF]  }
0x2b: {  	s6 =	sld [smem:$0x3FB0]  }
0x2c: {  	s7 =	sld [smem:$0x3FB1]  }
0x2d: {  	s3 =	simm.s32 $0x108;
	s8 =	sld [smem:$0x3FB2]  }
0x2e: {  	s3 =	simm.s32 @!p0 $0x1082;
	s9 =	sld [smem:$0x3FB3]  }
0x2f: {  	lr =	sadd.s32 s0, s3;
	s0 =	sld [smem:$0x3FAA]  }
0x30: {  	s3 =	sld [smem:$0x3FAD]  }
0x31: {  	[smem:$0x3FB6] =	sst s10  }
0x32: {  	s10 =	sld [smem:$0x3FB4];
	_ =	sdelay $0x3  }
0x33: {  	p0 =	seq.s32 s10, $0x1;
	s10 =	sld [smem:$0x3FB6];
	_ =	sdelay $0x3  }
0x34: {  	[smem:$0x3FB6] =	sst s10  }
0x35: {  	s10 =	sld [smem:$0x3FB5];
	_ =	sdelay $0x3  }
0x36: {  	p1 =	seq.s32 s10, $0x1;
	s10 =	sld [smem:$0x3FB6];
	_ =	sdelay $0x3  }
0x37: {  	[smem:$0x3FB6] =	sst s10  }
0x38: {  	s10 =	sld [smem:$0x3FB7]  }
0x39: {  	_ = 	snop;
	(pc) =	sbr.ind lr, $3  }
0x3a: {  	_ = 	snop  }
0x3b: {  	_ = 	snop  }
0x3c: {  	p2 =	seq.s32 s10, $0x1;
	s10 =	sld [smem:$0x3FB6]  }
0x3d: {  	_ =	shalt  }
0x3e: {  	_ =	shalt  }
0x3f: {  	_ =	shalt  }
0x40: {  	_ =	shalt  }
0x41: {  	_ =	shalt  }
0x42: {  	_ =	shalt  }
0x43: {  	_ =	shalt  }
0x44: {  	_ =	shalt  }
0x45: {  	_ =	shalt  }
0x46: {  	_ =	shalt  }
0x47: {  	_ =	shalt  }
0x48: {  	_ =	shalt  }
0x49: {  	_ =	shalt  }
0x4a: {  	_ =	shalt  }
0x4b: {  	_ =	shalt  }
0x4c: {  	_ =	shalt  }
0x4d: {  	_ =	shalt  }
0x4e: {  	_ =	shalt  }
0x4f: {  	_ =	shalt  }
0x50: {  	_ =	shalt  }
0x51: {  	_ =	shalt  }
0x52: {  	_ =	shalt  }
0x53: {  	_ =	shalt  }
0x54: {  	_ =	shalt  }
0x55: {  	_ =	shalt  }
0x56: {  	_ =	shalt  }
0x57: {  	_ =	shalt  }
0x58: {  	_ =	shalt  }
0x59: {  	_ =	shalt  }
0x5a: {  	_ =	shalt  }
0x5b: {  	_ =	shalt  }
0x5c: {  	_ =	shalt  }
0x5d: {  	_ =	shalt  }
0x5e: {  	_ =	shalt  }
0x5f: {  	_ =	shalt  }
0x60: {  	_ =	shalt  }
0x61: {  	_ =	shalt  }
0x62: {  	_ =	shalt  }
0x63: {  	_ =	shalt  }
0x64: {  	_ =	shalt  }
0x65: {  	_ =	shalt  }
0x66: {  	_ =	shalt  }
0x67: {  	_ =	shalt  }
0x68: {  	_ =	shalt  }
0x69: {  	_ =	shalt  }
0x6a: {  	_ =	shalt  }
0x6b: {  	_ =	shalt  }
0x6c: {  	_ =	shalt  }
0x6d: {  	_ =	shalt  }
0x6e: {  	_ =	shalt  }
0x6f: {  	_ =	shalt  }
0x70: {  	_ =	shalt  }
0x71: {  	_ =	shalt  }
0x72: {  	_ =	shalt  }
0x73: {  	_ =	shalt  }
0x74: {  	_ =	shalt  }
0x75: {  	_ =	shalt  }
0x76: {  	_ =	shalt  }
0x77: {  	_ =	shalt  }
0x78: {  	_ =	shalt  }
0x79: {  	_ =	shalt  }
0x7a: {  	_ =	shalt  }
0x7b: {  	_ =	shalt  }
0x7c: {  	_ =	shalt  }
0x7d: {  	_ =	shalt  }
0x7e: {  	_ =	shalt  }
0x7f: {  	_ =	shalt  }
0x80: {  	_ =	shalt  }
0x81: {  	_ =	shalt  }
0x82: {  	_ =	shalt  }
0x83: {  	_ =	shalt  }
0x84: {  	_ =	shalt  }
0x85: {  	_ =	shalt  }
0x86: {  	_ =	shalt  }
0x87: {  	_ =	shalt  }
.Lfunc_end0:
.L_simem_size_0:
called_computation_lowered:
.L_overlay_start_0:
0x88: {  	s2 =	sld [smem:$0x3FD9]  }
0x89: {  	s3 =	sld [smem:$0x3FFE];
	_ =	sdelay $0x1  }
0x8a: {  	s1 =	srdreg.scid  }
0x8b: {  	s0 =	sand.u32 $0x1, s1  }
0x8c: {  	s17 =	sshll.u32 s0, $0xA;
	s2 =	sadd.s32 s3, s2  }
0x8d: {  	s2 =	sadd.s32 s2, s17  }
0x8e: {  	[smem:$0x3FC2] =	sst s2  }
0x8f: {  	_ = 	snop  }
0x90: {  	s2 =	sld [smem:$0x3FC9]  }
0x91: {  	s18 =	sld [smem:$0x3FD0];
	(tm) =	ssettm $0x1  }
0x92: {  	s4 =	sld [smem:$0x3FFB];
	_ =	sdelay $0x3  }
0x93: {  	_ =	strace s4  }
0x94: {  	s4 =	sld [smem:$0x3FFC];
	_ =	sdelay $0x3  }
0x95: {  	_ =	strace s4  }
0x96: {  	s4 =	sld [smem:$0x3FFD];
	_ =	sdelay $0x3  }
0x97: {  	_ =	strace s4  }
0x98: {  	_ =	strace $0x8FFFFFFF  }
0x99: {  	s19 =	sld [smem:$0x3FDB];
	_ =	sdelay $0x1  }
0x9a: {  	s5 =	simm.s32 $_scs_section_size  }
0x9b: {  	s6 =	simm.s32 $_size__tile_overlayer_lowered;
	s7 =	simm.s32 $_tile_overlayer_lowered  }
0x9c: {  	s22 =	simm.s32 $0x1BFF;
	s21 =	sshll.u32 s7, $0x1;
	s4 =	sadd.s32 s5, s19  }
0x9d: {  	s8 =	simm.s32 $0x0;
	s20 =	sshll.u32 s6, $0x1;
	s6 =	sadd.s32 s21, s4  }
0x9e: {  	[timem:s8], [sflag:s22] =	dma.local [hbm:s6], s20  }
0x9f: {  	_ =	swait.ge [sflag:s22], s20  }
0xa0: {  	s5 =	ssub.s32 $0x0, s20;
	[sflag:s22] =	ssyncset.done $0x0  }
0xa1: {  	[sflag:s22] =	ssyncadd.s32 s5;
	_ =	sdelay $0x1  }
0xa2: {  	s23 =	simm.s32 $0x1B8B  }
0xa3: {  	_ =	swait.ge [sflag:s23], $0x1  }
0xa4: {  	[sflag:s23] =	ssyncset.done $0x0  }
0xa5: {  	s25 =	simm.s32 $0x1B8E;
	s24 =	sld [smem:$0x3FFE];
	[sflag:s23] =	ssyncadd.s32 $0xFFFFFFFF  }
0xa6: {  	s26 =	simm.s32 $execute0_lowered;
	[smem:$0x3FD2] =	sst s25  }
0xa7: {  	s6 =	sshll.u32 s26, $0x1;
	_ =	strace $0x80000046;
	[dreg:$0x1] =	wrdreg $0xFFFFFFFF  }
0xa8: {  	s28 =	simm.s32 $_size_execute0_lowered;
	s4 =	sadd.s32 s4, s6;
	[dreg:$0x0] =	wrdreg $0x0  }
0xa9: {  	s6 =	sshll.u32 s28, $0x1;
	[dreg:$0x2] =	wrdreg s4  }
0xaa: {  	[dreg:$0x3] =	wrdreg s6  }
0xab: {  	[dreg:$0x4] =	wrdreg $0xC0  }
0xac: {  	_ =	task [dreg:s8], $0x5FFFF  }
0xad: {  	[dreg:$0x1] =	wrdreg $0xFFFFFFFF  }
0xae: {  	[dreg:$0x0] =	wrdreg $0x60  }
0xaf: {  	[dreg:$0x2] =	wrdreg s2  }
0xb0: {  	[dreg:$0x3] =	wrdreg s24  }
0xb1: {  	[dreg:$0x4] =	wrdreg s18  }
0xb2: {  	[dreg:$0x5] =	wrdreg $0x90000  }
0xb3: {  	[dreg:$0x6] =	wrdreg $0x9  }
0xb4: {  	_ =	task.clear_ibuf [dreg:s8], $0x7FFFF;
	_ =	strace $0x90000046  }
0xb5: {  	s29 =	simm.s32 $0x9;
	_ =	strace $0x80000048  }
0xb6: {  	_ =	swait.ge [sflag:s29], $0x1  }
0xb7: {  	[sflag:s29] =	ssyncadd.s32 $0xFFFFFFFF  }
0xb8: {  	_ =	strace $0x90000048  }
0xb9: {  	_ =	sfence  }
0xba: {  	s30 =	sld [smem:$0x0];
	_ =	sdelay $0x2  }
0xbb: {  	s31 =	sshll.u32 s1, $0xD;
	s1 =	sshrl.u32 s1, $0x2  }
0xbc: {  	s3 =	sand.u32 $0x4000, s31;
	s1 =	sadd.s32 s1, s30  }
0xbd: {  	s0 =	sor.u32 s3, s0;
	s1 =	sshll.u32 s1, $0x11  }
0xbe: {  	s0 =	sor.u32 s1, s0  }
0xbf: {  	s0 =	sadd.s32 $0x8F2B, s0  }
0xc0: {  	[sflag:s0] =	ssyncadd.remote.s32 $0x1  }
0xc1: {  	_ =	sfence.sel $0xFFFF  }
0xc2: {  	[dreg:$0x0] =	wrdreg $0xFFFFFFFF;
	(pc) =	sbr.abs _section_cstart, $3  }
0xc3: {  	[dreg:$0x1] =	wrdreg $0xFFFFFFFF  }
0xc4: {  	_ =	task.clear_ibuf [dreg:s8], $0x2FFFF;
	_ =	strace $0x9FFFFFFF  }
0xc5: {  	(tm) =	ssettm $0x7FFFFFFF  }
tec
execute0_lowered:
.L_overlay_start_1:
0x0: {  	(tag) =	ssettag $0x1  }
0x1: {  	s0 =	rddreg [dreg:$0x0]  }
0x2: {  	s7 =	rddreg [dreg:$0x1]  }
0x3: {  	s11 =	rddreg [dreg:$0x2]  }
0x4: {  	s1 =	srdreg.scid;
	s3 =	rddreg [dreg:$0x3];
	s4 =	simm.s32 $0x0  }
0x5: {  	s17 =	simm.s32 $0x2800;
	s18 =	simm.s32 $0x1D000;
	s19 =	simm.s32 $0x40  }
0x6: {  	s20 =	simm.s32 $0x5000;
	s21 =	simm.s32 $0x7000;
	s22 =	simm.s32 $0x1  }
0x7: {  	s23 =	simm.s32 $0x3;
	s24 =	simm.s32 $0x2;
	s28 =	simm.s32 $0x0  }
0x8: {  	s8 =	sand.u32 $0x1, s1;
	s1 =	stileid.u32;
	[smem:$0x7FF] =	sst s4  }
0x9: {  	s6 =	sadd.s32 $0x17800, s7;
	s13 =	sadd.s32 $0x17E00, s7;
	s25 =	sadd.s32 $0x12C000, s3  }
0xa: {  	s2 =	sshll.u32 s8, $0x4;
	_ =	strace $0x80000047;
	s14 =	smul.u32 $0x14000, s1  }
0xb: {  	s9 =	ssub.s32 $0x2, s8;
	s29 =	sshll.u32 s1, $0x6;
	s16 =	smul.u32 $0x138800, s8  }
0xc: {  	p0 =	seq.s32 s1, $0xF;
	s5 =	sor.u32 s1, s2;
	s26 =	sshrl.u32 s9, $0x1  }
0xd: {  	s8 =	sor.u32 $0x1C05, s29;
	s25 =	sshrl.u32 @p0 s25, $0x3;
	s12 =	smul.u32 $0x500, s5  }
0xe: {  	s5 =	sadd.s32 $0x15000, s7;
	s15 =	ssub.s32 s9, s26;
	s26 =	simm.s32 $0x4  }
.Ltmp0:
0xf: {  	s10 =	sadd.s32 s12, s7;
	s7 =	sadd.s32 s14, s3;
	(pc) =	sbr.rel .LBB2_1-.Ltmp0, $4  }
0x10: {  	s14 =	sadd.s32 s14, s16;
	s16 =	sshrl.u32 s16, $0x3;
	s11 =	sadd.s32 s11, s12  }
0x11: {  	s9 =	sadd.s32 $0x1000, s10;
	s10 =	sadd.s32 $0xB000, s10;
	s30 =	sshrl.u32 s14, $0x3  }
0x12: {  	s31 =	sadd.s32 s13, s16;
	s14 =	smax.u32 s15, $0x1;
	s15 =	sshrl.u32 s7, $0x3  }
0x13: {  	v0 =	vimm.f32 $1.000000000e+00;
	s16 =	simm.s32 $0x5;
	s12 =	sadd.s32 s13, s30;
	s13 =	sadd.s32 $0x25800, s31  }
.LBB2_4:
0x14: {  	[bflag:$0x0] =	sbarrier.arrive $0xFFFF  }
0x15: {  	[hbm4b:s11+s4] =	stream.linear.scatter [tilespmem:s18], [sflag:$0x5], $0x2800, $0x38;
	[tilespmem:$0x1F800] =	vst v63  }
0x16: {  	_ =	swait.ge [sflag:s16], $0x2800  }
0x17: {  	[sflag:s16] =	ssyncset.done $0x0  }
0x18: {  	s1 =	simm.s32 @p0 $0x5;
	[sflag:s16] =	ssyncadd.s32 $0xFFFFD800  }
0x19: {  	[hbm:s13], [sflag:s8] =	dma.local @p0 [spmem:s25], $0x1900  }
0x1a: {  	_ =	swait.ge @p0 [sflag:s1], $0x1900  }
0x1b: {  	s28 =	sadd.s32 $0x1, s28;
	[sflag:s1] =	ssyncset.done @p0 $0x0  }
0x1c: {  	p1 =	sne.s32 s28, s14;
	[sflag:s1] =	ssyncadd.s32 @p0 $0xFFFFE700;
	s1 =	sshrl.u32 @!p0 s7, $0x3  }
0x1d: {  	[hbm:s12], [sflag:s8] =	dma.local @!p0 [spmem:s1], $0x2800  }
.Ltmp1:
0x1e: {  	_ = 	snop;
	(pc) =	sbr.rel @!p1 .LBB2_5-.Ltmp1, $4  }
0x1f: {  	s1 =	simm.s32 @!p0 $0x5  }
0x20: {  	_ =	swait.ge @!p0 [sflag:s1], $0x2800  }
0x21: {  	[sflag:s1] =	ssyncset.done @!p0 $0x0  }
0x22: {  	[sflag:s1] =	ssyncadd.s32 @!p0 $0xFFFFD800  }
.LBB2_1:
0x23: {  	[spmem:s15], [sflag:s8] =	dma.local [hbm:s5], $0x2800  }
0x24: {  	_ =	swait.ge [sflag:s16], $0x2800  }
0x25: {  	[sflag:s16] =	ssyncset.done $0x0  }
0x26: {  	[sflag:s16] =	ssyncadd.s32 $0xFFFFD800  }
0x27: {  	[tilespmem:s4], [sflag:$0x5] =	stream.linear.gather [hbm4b:s9+s4], $0x2800, $0x38;
	[tilespmem:$0x1F800] =	vst v63  }
0x28: {  	_ =	swait.ge [sflag:s16], $0x2800  }
0x29: {  	[sflag:s16] =	ssyncset.done $0x0  }
0x2a: {  	[sflag:s16] =	ssyncadd.s32 $0xFFFFD800  }
0x2b: {  	[tilespmem:s17], [sflag:$0x5] =	stream.linear.gather [hbm4b:s10+s4], $0x2800, $0x38;
	[tilespmem:$0x1F800] =	vst v63  }
0x2c: {  	_ =	swait.ge [sflag:s16], $0x2800  }
0x2d: {  	[sflag:s16] =	ssyncset.done $0x0  }
0x2e: {  	[sflag:s16] =	ssyncadd.s32 $0xFFFFD800  }
0x2f: {  	[tilespmem:s18], [sflag:$0x5] =	stream.linear.gather [hbm4b:s6+s4], $0x2800, $0x38;
	[tilespmem:$0x1F800] =	vst v63  }
0x30: {  	_ =	swait.ge [sflag:s16], $0x2800  }
0x31: {  	[sflag:s16] =	ssyncset.done $0x0  }
0x32: {  	[sflag:s16] =	ssyncadd.s32 $0xFFFFD800  }
0x33: {  	[bflag:$0x0] =	sbarrier.arrive $0xFFFF  }
0x34: {  	[tilespmem:s20], [sflag:$0x1] =	stream.indirect.gather [hbm4b:s0+s19], $0x80, s4, s19, $0xb8;
	[tilespmem:$0x1F800] =	vst v63  }
0x35: {  	s29 =	simm.s32 $0x0  }
0x36: {  	[tilespmem:s21], [sflag:$0x2] =	stream.indirect.gather [hbm4b:s0+s19], $0x80, s19, s19, $0xb8;
	[tilespmem:$0x1F800] =	vst v63  }
.LBB2_2:
0x37: {  	_ =	swait.ge [sflag:s22], $0x2000  }
0x38: {  	s30 =	sshra.s32 s29, $0x2;
	[sflag:s22] =	ssyncset.done $0x0  }
0x39: {  	s31 =	sadd.s32 $0x2800, s30;
	[sflag:s22] =	ssyncadd.s32 $0xFFFFE000  }
0x3a: {  	[spmem:s3] =	stream.indirect.scatter.add.f32 [tilespmem:s20], [sflag:$0x3], $0x80, s31, s19, $0xb8;
	[tilespmem:$0x1F800] =	vst v63  }
0x3b: {  	v1 =	vld [tilespmem:s30+$0x2800];
	_ =	sdelay $0x7  }
0x3c: {  	[tilespmem:v1+s18+$0x0] =	vst.idx.add.f32.msk $0xffff, v0  }
0x3d: {  	v1 =	vld [tilespmem:s30+$0x2810];
	_ =	sdelay $0x7  }
0x3e: {  	[tilespmem:v1+s18+$0x0] =	vst.idx.add.f32.msk $0xffff, v0  }
0x3f: {  	v1 =	vld [tilespmem:s30+$0x2820];
	_ =	sdelay $0x7  }
0x40: {  	[tilespmem:v1+s18+$0x0] =	vst.idx.add.f32.msk $0xffff, v0  }
0x41: {  	v1 =	vld [tilespmem:s30+$0x2830];
	_ =	sdelay $0x7  }
0x42: {  	[tilespmem:v1+s18+$0x0] =	vst.idx.add.f32.msk $0xffff, v0  }
0x43: {  	_ =	swait.ge [sflag:s23], $0x2000  }
0x44: {  	[sflag:s23] =	ssyncset.done $0x0  }
0x45: {  	s1 =	sadd.s32 $0x80, s30;
	[sflag:s23] =	ssyncadd.s32 $0xFFFFE000  }
0x46: {  	[tilespmem:s20], [sflag:$0x1] =	stream.indirect.gather [hbm4b:s0+s19], $0x80, s1, s19, $0xb8;
	[tilespmem:$0x1F800] =	vst v63  }
0x47: {  	_ =	swait.ge [sflag:s24], $0x2000  }
0x48: {  	[sflag:s24] =	ssyncset.done $0x0  }
0x49: {  	s2 =	sadd.s32 $0x2840, s30;
	[sflag:s24] =	ssyncadd.s32 $0xFFFFE000  }
0x4a: {  	[spmem:s3] =	stream.indirect.scatter.add.f32 [tilespmem:s21], [sflag:$0x4], $0x80, s2, s19, $0xb8;
	[tilespmem:$0x1F800] =	vst v63  }
0x4b: {  	v1 =	vld [tilespmem:s30+$0x2840];
	_ =	sdelay $0x7  }
0x4c: {  	[tilespmem:v1+s18+$0x0] =	vst.idx.add.f32.msk $0xffff, v0  }
0x4d: {  	v1 =	vld [tilespmem:s30+$0x2850];
	_ =	sdelay $0x7  }
0x4e: {  	[tilespmem:v1+s18+$0x0] =	vst.idx.add.f32.msk $0xffff, v0  }
0x4f: {  	v1 =	vld [tilespmem:s30+$0x2860];
	_ =	sdelay $0x7  }
0x50: {  	[tilespmem:v1+s18+$0x0] =	vst.idx.add.f32.msk $0xffff, v0  }
0x51: {  	v1 =	vld [tilespmem:s30+$0x2870];
	_ =	sdelay $0x7  }
0x52: {  	[tilespmem:v1+s18+$0x0] =	vst.idx.add.f32.msk $0xffff, v0  }
0x53: {  	_ =	swait.ge [sflag:s26], $0x2000  }
0x54: {  	[sflag:s26] =	ssyncset.done $0x0  }
0x55: {  	s1 =	sadd.s32 $0xC0, s30;
	[sflag:s26] =	ssyncadd.s32 $0xFFFFE000  }
0x56: {  	[tilespmem:s21], [sflag:$0x2] =	stream.indirect.gather [hbm4b:s0+s19], $0x80, s1, s19, $0xb8;
	[tilespmem:$0x1F800] =	vst v63  }
0x57: {  	_ =	swait.ge [sflag:s22], $0x2000  }
0x58: {  	[sflag:s22] =	ssyncset.done $0x0  }
0x59: {  	s2 =	sadd.s32 $0x2880, s30;
	[sflag:s22] =	ssyncadd.s32 $0xFFFFE000  }
0x5a: {  	[spmem:s3] =	stream.indirect.scatter.add.f32 [tilespmem:s20], [sflag:$0x3], $0x80, s2, s19, $0xb8;
	[tilespmem:$0x1F800] =	vst v63  }
0x5b: {  	v1 =	vld [tilespmem:s30+$0x2880];
	_ =	sdelay $0x7  }
0x5c: {  	[tilespmem:v1+s18+$0x0] =	vst.idx.add.f32.msk $0xffff, v0  }
0x5d: {  	v1 =	vld [tilespmem:s30+$0x2890];
	_ =	sdelay $0x7  }
0x5e: {  	[tilespmem:v1+s18+$0x0] =	vst.idx.add.f32.msk $0xffff, v0  }
0x5f: {  	v1 =	vld [tilespmem:s30+$0x28A0];
	_ =	sdelay $0x7  }
0x60: {  	[tilespmem:v1+s18+$0x0] =	vst.idx.add.f32.msk $0xffff, v0  }
0x61: {  	v1 =	vld [tilespmem:s30+$0x28B0];
	_ =	sdelay $0x7  }
0x62: {  	[tilespmem:v1+s18+$0x0] =	vst.idx.add.f32.msk $0xffff, v0  }
0x63: {  	_ =	swait.ge [sflag:s23], $0x2000  }
0x64: {  	[sflag:s23] =	ssyncset.done $0x0  }
0x65: {  	s1 =	sadd.s32 $0x100, s30;
	[sflag:s23] =	ssyncadd.s32 $0xFFFFE000  }
0x66: {  	[tilespmem:s20], [sflag:$0x1] =	stream.indirect.gather [hbm4b:s0+s19], $0x80, s1, s19, $0xb8;
	[tilespmem:$0x1F800] =	vst v63  }
0x67: {  	_ =	swait.ge [sflag:s24], $0x2000  }
0x68: {  	[sflag:s24] =	ssyncset.done $0x0  }
0x69: {  	s2 =	sadd.s32 $0x28C0, s30;
	[sflag:s24] =	ssyncadd.s32 $0xFFFFE000  }
0x6a: {  	[spmem:s3] =	stream.indirect.scatter.add.f32 [tilespmem:s21], [sflag:$0x4], $0x80, s2, s19, $0xb8;
	[tilespmem:$0x1F800] =	vst v63  }
0x6b: {  	v1 =	vld [tilespmem:s30+$0x28C0];
	_ =	sdelay $0x7  }
0x6c: {  	[tilespmem:v1+s18+$0x0] =	vst.idx.add.f32.msk $0xffff, v0  }
0x6d: {  	v1 =	vld [tilespmem:s30+$0x28D0];
	_ =	sdelay $0x7  }
0x6e: {  	[tilespmem:v1+s18+$0x0] =	vst.idx.add.f32.msk $0xffff, v0  }
0x6f: {  	v1 =	vld [tilespmem:s30+$0x28E0];
	_ =	sdelay $0x7  }
0x70: {  	[tilespmem:v1+s18+$0x0] =	vst.idx.add.f32.msk $0xffff, v0  }
0x71: {  	v1 =	vld [tilespmem:s30+$0x28F0];
	_ =	sdelay $0x7  }
0x72: {  	[tilespmem:v1+s18+$0x0] =	vst.idx.add.f32.msk $0xffff, v0  }
0x73: {  	_ =	swait.ge [sflag:s26], $0x2000  }
0x74: {  	[sflag:s26] =	ssyncset.done $0x0  }
0x75: {  	s1 =	sadd.s32 $0x140, s30;
	[sflag:s26] =	ssyncadd.s32 $0xFFFFE000  }
0x76: {  	[tilespmem:s21], [sflag:$0x2] =	stream.indirect.gather [hbm4b:s0+s19], $0x80, s1, s19, $0xb8;
	[tilespmem:$0x1F800] =	vst v63  }
0x77: {  	_ =	swait.ge [sflag:s22], $0x2000  }
0x78: {  	[sflag:s22] =	ssyncset.done $0x0  }
0x79: {  	s2 =	sadd.s32 $0x2900, s30;
	[sflag:s22] =	ssyncadd.s32 $0xFFFFE000  }
0x7a: {  	[spmem:s3] =	stream.indirect.scatter.add.f32 [tilespmem:s20], [sflag:$0x3], $0x80, s2, s19, $0xb8;
	[tilespmem:$0x1F800] =	vst v63  }
0x7b: {  	v1 =	vld [tilespmem:s30+$0x2900];
	_ =	sdelay $0x7  }
0x7c: {  	[tilespmem:v1+s18+$0x0] =	vst.idx.add.f32.msk $0xffff, v0  }
0x7d: {  	v1 =	vld [tilespmem:s30+$0x2910];
	_ =	sdelay $0x7  }
0x7e: {  	[tilespmem:v1+s18+$0x0] =	vst.idx.add.f32.msk $0xffff, v0  }
0x7f: {  	v1 =	vld [tilespmem:s30+$0x2920];
	_ =	sdelay $0x7  }
0x80: {  	[tilespmem:v1+s18+$0x0] =	vst.idx.add.f32.msk $0xffff, v0  }
0x81: {  	v1 =	vld [tilespmem:s30+$0x2930];
	_ =	sdelay $0x7  }
0x82: {  	[tilespmem:v1+s18+$0x0] =	vst.idx.add.f32.msk $0xffff, v0  }
0x83: {  	_ =	swait.ge [sflag:s23], $0x2000  }
0x84: {  	[sflag:s23] =	ssyncset.done $0x0  }
0x85: {  	s1 =	sadd.s32 $0x180, s30;
	[sflag:s23] =	ssyncadd.s32 $0xFFFFE000  }
0x86: {  	[tilespmem:s20], [sflag:$0x1] =	stream.indirect.gather [hbm4b:s0+s19], $0x80, s1, s19, $0xb8;
	[tilespmem:$0x1F800] =	vst v63  }
0x87: {  	_ =	swait.ge [sflag:s24], $0x2000  }
0x88: {  	[sflag:s24] =	ssyncset.done $0x0  }
0x89: {  	s2 =	sadd.s32 $0x2940, s30;
	[sflag:s24] =	ssyncadd.s32 $0xFFFFE000  }
0x8a: {  	[spmem:s3] =	stream.indirect.scatter.add.f32 [tilespmem:s21], [sflag:$0x4], $0x80, s2, s19, $0xb8;
	[tilespmem:$0x1F800] =	vst v63  }
0x8b: {  	v1 =	vld [tilespmem:s30+$0x2940];
	_ =	sdelay $0x7  }
0x8c: {  	[tilespmem:v1+s18+$0x0] =	vst.idx.add.f32.msk $0xffff, v0  }
0x8d: {  	v1 =	vld [tilespmem:s30+$0x2950];
	_ =	sdelay $0x7  }
0x8e: {  	[tilespmem:v1+s18+$0x0] =	vst.idx.add.f32.msk $0xffff, v0  }
0x8f: {  	v1 =	vld [tilespmem:s30+$0x2960];
	_ =	sdelay $0x7  }
0x90: {  	[tilespmem:v1+s18+$0x0] =	vst.idx.add.f32.msk $0xffff, v0  }
0x91: {  	v1 =	vld [tilespmem:s30+$0x2970];
	_ =	sdelay $0x7  }
0x92: {  	[tilespmem:v1+s18+$0x0] =	vst.idx.add.f32.msk $0xffff, v0  }
0x93: {  	_ =	swait.ge [sflag:s26], $0x2000  }
0x94: {  	[sflag:s26] =	ssyncset.done $0x0  }
0x95: {  	s1 =	sadd.s32 $0x1C0, s30;
	[sflag:s26] =	ssyncadd.s32 $0xFFFFE000  }
0x96: {  	[tilespmem:s21], [sflag:$0x2] =	stream.indirect.gather [hbm4b:s0+s19], $0x80, s1, s19, $0xb8;
	[tilespmem:$0x1F800] =	vst v63  }
0x97: {  	_ =	swait.ge [sflag:s22], $0x2000  }
0x98: {  	[sflag:s22] =	ssyncset.done $0x0  }
0x99: {  	s2 =	sadd.s32 $0x2980, s30;
	[sflag:s22] =	ssyncadd.s32 $0xFFFFE000  }
0x9a: {  	[spmem:s3] =	stream.indirect.scatter.add.f32 [tilespmem:s20], [sflag:$0x3], $0x80, s2, s19, $0xb8;
	[tilespmem:$0x1F800] =	vst v63  }
0x9b: {  	v1 =	vld [tilespmem:s30+$0x2980];
	_ =	sdelay $0x7  }
0x9c: {  	[tilespmem:v1+s18+$0x0] =	vst.idx.add.f32.msk $0xffff, v0  }
0x9d: {  	v1 =	vld [tilespmem:s30+$0x2990];
	_ =	sdelay $0x7  }
0x9e: {  	[tilespmem:v1+s18+$0x0] =	vst.idx.add.f32.msk $0xffff, v0  }
0x9f: {  	v1 =	vld [tilespmem:s30+$0x29A0];
	_ =	sdelay $0x7  }
0xa0: {  	[tilespmem:v1+s18+$0x0] =	vst.idx.add.f32.msk $0xffff, v0  }
0xa1: {  	v1 =	vld [tilespmem:s30+$0x29B0];
	_ =	sdelay $0x7  }
0xa2: {  	p1 =	seq.s32 s29, $0x9800;
	[tilespmem:v1+s18+$0x0] =	vst.idx.add.f32.msk $0xffff, v0  }
0xa3: {  	s31 =	sshra.s32 @!p1 s29, $0x2;
	_ =	swait.ge [sflag:s23], $0x2000  }
0xa4: {  	s31 =	sadd.s32 @!p1 $0x200, s31;
	[sflag:s23] =	ssyncset.done $0x0  }
0xa5: {  	s1 =	simm.s32 @!p1 $0x5000;
	s2 =	simm.s32 @!p1 $0x40;
	[sflag:s23] =	ssyncadd.s32 $0xFFFFE000  }
0xa6: {  	[tilespmem:s1], [sflag:$0x1] =	stream.indirect.gather @!p1 [hbm4b:s0+s2], $0x80, s31, s2, $0xb8;
	[tilespmem:$0x1F800] =	vst v63  }
0xa7: {  	_ =	swait.ge [sflag:s24], $0x2000  }
0xa8: {  	[sflag:s24] =	ssyncset.done $0x0  }
0xa9: {  	s31 =	sadd.s32 $0x29C0, s30;
	[sflag:s24] =	ssyncadd.s32 $0xFFFFE000  }
0xaa: {  	[spmem:s3] =	stream.indirect.scatter.add.f32 [tilespmem:s21], [sflag:$0x4], $0x80, s31, s19, $0xb8;
	[tilespmem:$0x1F800] =	vst v63  }
0xab: {  	v1 =	vld [tilespmem:s30+$0x29C0];
	_ =	sdelay $0x7  }
0xac: {  	[tilespmem:v1+s18+$0x0] =	vst.idx.add.f32.msk $0xffff, v0  }
0xad: {  	v1 =	vld [tilespmem:s30+$0x29D0];
	_ =	sdelay $0x7  }
0xae: {  	[tilespmem:v1+s18+$0x0] =	vst.idx.add.f32.msk $0xffff, v0  }
0xaf: {  	v1 =	vld [tilespmem:s30+$0x29E0];
	_ =	sdelay $0x7  }
0xb0: {  	[tilespmem:v1+s18+$0x0] =	vst.idx.add.f32.msk $0xffff, v0  }
0xb1: {  	v1 =	vld [tilespmem:s30+$0x29F0];
	_ =	sdelay $0x6  }
.Ltmp2:
0xb2: {  	_ = 	snop;
	(pc) =	sbr.rel @p1 .LBB2_4-.Ltmp2, $4  }
0xb3: {  	[tilespmem:v1+s18+$0x0] =	vst.idx.add.f32.msk $0xffff, v0  }
0xb4: {  	_ =	swait.ge [sflag:s26], $0x2000  }
0xb5: {  	[sflag:s26] =	ssyncset.done $0x0  }
0xb6: {  	[sflag:s26] =	ssyncadd.s32 $0xFFFFE000  }
.Ltmp3:
0xb7: {  	(pc) =	sbr.rel .LBB2_2-.Ltmp3, $3  }
0xb8: {  	_ =	sdelay $0x1  }
0xb9: {  	s1 =	sadd.s32 $0x240, s30;
	s29 =	sadd.s32 $0x800, s29  }
0xba: {  	[tilespmem:s21], [sflag:$0x2] =	stream.indirect.gather [hbm4b:s0+s19], $0x80, s1, s19, $0xb8;
	[tilespmem:$0x1F800] =	vst v63  }
.LBB2_5:
0xbb: {  	_ =	sfence.sel $0x180000  }
0xbc: {  	[bflag:$0x0] =	sbarrier.arrive $0xFFFF  }
0xbd: {  	_ =	strace $0x90000047  }
0xbe: {  	s0 =	stileid.u32;
	[bflag:$0x2] =	sbarrier.arrive $0xFFFF  }
0xbf: {  	p0 =	sne.s32 s0, $0x0;
	s0 =	rddreg [dreg:$0x4]  }
0xc0: {  	s0 =	sadd.s32 @!p0 $0x100000, s0  }
0xc1: {  	[sflag:s0] =	ssyncadd.tile.s32 @!p0 $0x1;
	_ =	shalt  }
.Lfunc_end2:
_tile_overlayer_lowered:
.L_overlay_start_2:
0xc2: {  	(tag) =	ssettag $0x2  }
0xc3: {  	s0 =	rddreg [dreg:$0x0];
	s2 =	stileid.u32  }
0xc4: {  	s1 =	rddreg [dreg:$0x1];
	p0 =	sne.s32 s2, $0x0  }
0xc5: {  	s3 =	rddreg [dreg:$0x2];
	[bflag:$0x3] =	sbarrier.arrive $0xFFFF;
	s2 =	simm.s32 @!p0 $0x1C05  }
0xc6: {  	[timem:s3], [sflag:s2] =	dma.local @!p0 [hbm:s0], s1  }
0xc7: {  	s0 =	simm.s32 @!p0 $0x5  }
0xc8: {  	_ =	swait.ge @!p0 [sflag:s0], s1  }
0xc9: {  	s1 =	ssub.s32 @!p0 $0x0, s1;
	[sflag:s0] =	ssyncset.done @!p0 $0x0  }
0xca: {  	[sflag:s0] =	ssyncadd.s32 @!p0 s1  }
0xcb: {  	[bflag:$0x3] =	sbarrier.arrive $0xFFFF  }
0xcc: {  	_ =	shalt  }

// kernel: kernel.9.cloned.1.call-start
scs
__scs_entry_jumppad:
0x0: {  	(pc) =	sbr.rel $0x88, $3  }
0x1: {  	(tag) =	ssettag $0x0;
	lr =	simm.s32 $0x1  }
0x2: {  	[smem:$0x3F9B] =	sst lr;
	_ =	strace $0xD0000000  }
0x3: {  	_ = 	snop  }
0x4: {  	_ = 	snop  }
0x5: {  	_ = 	snop  }
0x6: {  	_ = 	snop  }
0x7: {  	_ = 	snop  }
__scs_overlays_trampoline_lowered:
0x8: {  	[smem:$0x3FAA] =	sst s0  }
0x9: {  	[smem:$0x3FAB] =	sst s1  }
0xa: {  	[smem:$0x3FAC] =	sst s2  }
0xb: {  	[smem:$0x3FAD] =	sst s3  }
0xc: {  	[smem:$0x3FAE] =	sst s4  }
0xd: {  	[smem:$0x3FAF] =	sst s5  }
0xe: {  	[smem:$0x3FB0] =	sst s6  }
0xf: {  	[smem:$0x3FB1] =	sst s7  }
0x10: {  	[smem:$0x3FB2] =	sst s8  }
0x11: {  	[smem:$0x3FB3] =	sst s9;
	s0 =	simm.s32 @!p0 $0x0  }
0x12: {  	s1 =	sld [smem:$0x3F99];
	s0 =	simm.s32 @p0 $0x1  }
0x13: {  	[smem:$0x3FB4] =	sst s0;
	s0 =	simm.s32 @!p1 $0x0  }
0x14: {  	s2 =	sld [smem:$0x3F98];
	s0 =	simm.s32 @p1 $0x1  }
0x15: {  	[smem:$0x3FB5] =	sst s0;
	s0 =	simm.s32 @!p2 $0x0  }
0x16: {  	s3 =	sld [smem:$0x3FDB];
	s0 =	simm.s32 @p2 $0x1  }
0x17: {  	s4 =	simm.s32 $0x1BF5;
	[smem:$0x3FB7] =	sst s0  }
0x18: {  	s0 =	sld [smem:$0x3F9A];
	_ =	swait.ge [sflag:s4], $0x0  }
0x19: {  	s7 =	sld [smem:$0x3F9B]  }
0x1a: {  	s8 =	sadd.s32 $0xFFFFE003, lr  }
0x1b: {  	s9 =	sadd.s32 $0xFFFFFEF7, lr;
	s5 =	simm.s32 $0xFFFFFFFF;
	p2 =	slt.u32 s8, $0xFFFFF086  }
0x1c: {  	p1 =	slt.u32 s9, $0xF7A;
	s5 =	simm.s32 @!p2 $0x0  }
0x1d: {  	s5 =	simm.s32 @p1 $0x1;
	p0 =	seq.s32 s7, s2  }
0x1e: {  	s7 =	smul.u32 @!p0 $0xF7A, s2;
	p2 =	seq.s32 @!p0 s5, $0x0  }
0x1f: {  	s9 =	smul.u32 $0xF7A, s1;
	s8 =	simm.s32 @!p0 $0x1BF5;
	p2 =	por !p2, p0  }
0x20: {  	[sflag:s8] =	ssyncset.s32 @!p0 $0xFFFFF086;
	s6 =	sadd.s32 @!p0 s3, s7;
	s7 =	simm.s32 @!p0 $0x108  }
0x21: {  	s3 =	sadd.s32 s3, s9;
	s6 =	sadd.s32 @!p0 $0x88, s6;
	s7 =	simm.s32 @p2 $0x1082  }
0x22: {  	[simem:s7], [sflag:s8] =	dma.local @!p0 [hbm:s6], $0xF7A  }
0x23: {  	s9 =	sor.u32 $0xD0000000, s2;
	s6 =	simm.s32 $0x108;
	_ =	swait.ge @!p0 [sflag:s8], $0x0  }
0x24: {  	s3 =	sadd.s32 $0x88, s3;
	s6 =	simm.s32 @!p1 $0x1082;
	[sflag:s4] =	ssyncset.s32 $0xFFFFF086  }
0x25: {  	[simem:s6], [sflag:s4] =	dma.local [hbm:s3], $0xF7A  }
0x26: {  	[smem:$0x3F9B] =	sst s1;
	(tag) =	ssettag s2;
	_ =	strace s9  }
0x27: {  	s1 =	sld [smem:$0x3FAB]  }
0x28: {  	s2 =	sld [smem:$0x3FAC]  }
0x29: {  	s4 =	sld [smem:$0x3FAE]  }
0x2a: {  	p0 =	seq.s32 s5, $0x0;
	s5 =	sld [smem:$0x3FAF]  }
0x2b: {  	s6 =	sld [smem:$0x3FB0]  }
0x2c: {  	s7 =	sld [smem:$0x3FB1]  }
0x2d: {  	s3 =	simm.s32 $0x108;
	s8 =	sld [smem:$0x3FB2]  }
0x2e: {  	s3 =	simm.s32 @!p0 $0x1082;
	s9 =	sld [smem:$0x3FB3]  }
0x2f: {  	lr =	sadd.s32 s0, s3;
	s0 =	sld [smem:$0x3FAA]  }
0x30: {  	s3 =	sld [smem:$0x3FAD]  }
0x31: {  	[smem:$0x3FB6] =	sst s10  }
0x32: {  	s10 =	sld [smem:$0x3FB4];
	_ =	sdelay $0x3  }
0x33: {  	p0 =	seq.s32 s10, $0x1;
	s10 =	sld [smem:$0x3FB6];
	_ =	sdelay $0x3  }
0x34: {  	[smem:$0x3FB6] =	sst s10  }
0x35: {  	s10 =	sld [smem:$0x3FB5];
	_ =	sdelay $0x3  }
0x36: {  	p1 =	seq.s32 s10, $0x1;
	s10 =	sld [smem:$0x3FB6];
	_ =	sdelay $0x3  }
0x37: {  	[smem:$0x3FB6] =	sst s10  }
0x38: {  	s10 =	sld [smem:$0x3FB7]  }
0x39: {  	_ = 	snop;
	(pc) =	sbr.ind lr, $3  }
0x3a: {  	_ = 	snop  }
0x3b: {  	_ = 	snop  }
0x3c: {  	p2 =	seq.s32 s10, $0x1;
	s10 =	sld [smem:$0x3FB6]  }
0x3d: {  	_ =	shalt  }
0x3e: {  	_ =	shalt  }
0x3f: {  	_ =	shalt  }
0x40: {  	_ =	shalt  }
0x41: {  	_ =	shalt  }
0x42: {  	_ =	shalt  }
0x43: {  	_ =	shalt  }
0x44: {  	_ =	shalt  }
0x45: {  	_ =	shalt  }
0x46: {  	_ =	shalt  }
0x47: {  	_ =	shalt  }
0x48: {  	_ =	shalt  }
0x49: {  	_ =	shalt  }
0x4a: {  	_ =	shalt  }
0x4b: {  	_ =	shalt  }
0x4c: {  	_ =	shalt  }
0x4d: {  	_ =	shalt  }
0x4e: {  	_ =	shalt  }
0x4f: {  	_ =	shalt  }
0x50: {  	_ =	shalt  }
0x51: {  	_ =	shalt  }
0x52: {  	_ =	shalt  }
0x53: {  	_ =	shalt  }
0x54: {  	_ =	shalt  }
0x55: {  	_ =	shalt  }
0x56: {  	_ =	shalt  }
0x57: {  	_ =	shalt  }
0x58: {  	_ =	shalt  }
0x59: {  	_ =	shalt  }
0x5a: {  	_ =	shalt  }
0x5b: {  	_ =	shalt  }
0x5c: {  	_ =	shalt  }
0x5d: {  	_ =	shalt  }
0x5e: {  	_ =	shalt  }
0x5f: {  	_ =	shalt  }
0x60: {  	_ =	shalt  }
0x61: {  	_ =	shalt  }
0x62: {  	_ =	shalt  }
0x63: {  	_ =	shalt  }
0x64: {  	_ =	shalt  }
0x65: {  	_ =	shalt  }
0x66: {  	_ =	shalt  }
0x67: {  	_ =	shalt  }
0x68: {  	_ =	shalt  }
0x69: {  	_ =	shalt  }
0x6a: {  	_ =	shalt  }
0x6b: {  	_ =	shalt  }
0x6c: {  	_ =	shalt  }
0x6d: {  	_ =	shalt  }
0x6e: {  	_ =	shalt  }
0x6f: {  	_ =	shalt  }
0x70: {  	_ =	shalt  }
0x71: {  	_ =	shalt  }
0x72: {  	_ =	shalt  }
0x73: {  	_ =	shalt  }
0x74: {  	_ =	shalt  }
0x75: {  	_ =	shalt  }
0x76: {  	_ =	shalt  }
0x77: {  	_ =	shalt  }
0x78: {  	_ =	shalt  }
0x79: {  	_ =	shalt  }
0x7a: {  	_ =	shalt  }
0x7b: {  	_ =	shalt  }
0x7c: {  	_ =	shalt  }
0x7d: {  	_ =	shalt  }
0x7e: {  	_ =	shalt  }
0x7f: {  	_ =	shalt  }
0x80: {  	_ =	shalt  }
0x81: {  	_ =	shalt  }
0x82: {  	_ =	shalt  }
0x83: {  	_ =	shalt  }
0x84: {  	_ =	shalt  }
0x85: {  	_ =	shalt  }
0x86: {  	_ =	shalt  }
0x87: {  	_ =	shalt  }
.Lfunc_end0:
.L_simem_size_0:
called_computation.1_lowered:
.L_overlay_start_0:
0x88: {  	s2 =	sld [smem:$0x3FD9]  }
0x89: {  	s3 =	sld [smem:$0x3FFE];
	_ =	sdelay $0x1  }
0x8a: {  	s1 =	srdreg.scid  }
0x8b: {  	s0 =	sand.u32 $0x1, s1  }
0x8c: {  	s17 =	sshll.u32 s0, $0xA;
	s2 =	sadd.s32 s3, s2  }
0x8d: {  	s2 =	sadd.s32 s2, s17  }
0x8e: {  	[smem:$0x3FC2] =	sst s2  }
0x8f: {  	_ = 	snop  }
0x90: {  	s2 =	sld [smem:$0x3FD0];
	(tm) =	ssettm $0x1  }
0x91: {  	s18 =	sld [smem:$0x3FFB];
	_ =	sdelay $0x3  }
0x92: {  	_ =	strace s18  }
0x93: {  	s3 =	sld [smem:$0x3FFC];
	_ =	sdelay $0x3  }
0x94: {  	_ =	strace s3  }
0x95: {  	s3 =	sld [smem:$0x3FFD];
	_ =	sdelay $0x3  }
0x96: {  	_ =	strace s3  }
0x97: {  	_ =	strace $0x8FFFFFFF  }
0x98: {  	s19 =	sld [smem:$0x3FDB];
	_ =	sdelay $0x1  }
0x99: {  	s4 =	simm.s32 $_scs_section_size  }
0x9a: {  	s5 =	simm.s32 $_size__tile_overlayer_lowered;
	s6 =	simm.s32 $_tile_overlayer_lowered  }
0x9b: {  	s22 =	simm.s32 $0x1BFF;
	s21 =	sshll.u32 s6, $0x1;
	s3 =	sadd.s32 s4, s19  }
0x9c: {  	s7 =	simm.s32 $0x0;
	s20 =	sshll.u32 s5, $0x1;
	s5 =	sadd.s32 s21, s3  }
0x9d: {  	[timem:s7], [sflag:s22] =	dma.local [hbm:s5], s20  }
0x9e: {  	_ =	swait.ge [sflag:s22], s20  }
0x9f: {  	s4 =	ssub.s32 $0x0, s20;
	[sflag:s22] =	ssyncset.done $0x0  }
0xa0: {  	[sflag:s22] =	ssyncadd.s32 s4;
	_ =	sdelay $0x1  }
0xa1: {  	s23 =	simm.s32 $0x1B8B  }
0xa2: {  	_ =	swait.ge [sflag:s23], $0x1  }
0xa3: {  	[sflag:s23] =	ssyncset.done $0x0  }
0xa4: {  	s25 =	simm.s32 $0x1B8E;
	s24 =	sld [smem:$0x3FFE];
	[sflag:s23] =	ssyncadd.s32 $0xFFFFFFFF  }
0xa5: {  	s26 =	simm.s32 $execute0_lowered;
	[smem:$0x3FD2] =	sst s25  }
0xa6: {  	s5 =	sshll.u32 s26, $0x1;
	_ =	strace $0x80000049;
	[dreg:$0x1] =	wrdreg $0xFFFFFFFF  }
0xa7: {  	s28 =	simm.s32 $_size_execute0_lowered;
	s3 =	sadd.s32 s3, s5;
	[dreg:$0x0] =	wrdreg $0x0  }
0xa8: {  	s5 =	sshll.u32 s28, $0x1;
	[dreg:$0x2] =	wrdreg s3  }
0xa9: {  	[dreg:$0x3] =	wrdreg s5  }
0xaa: {  	[dreg:$0x4] =	wrdreg $0xC0  }
0xab: {  	_ =	task [dreg:s7], $0x5FFFF  }
0xac: {  	[dreg:$0x1] =	wrdreg $0xFFFFFFFF  }
0xad: {  	[dreg:$0x0] =	wrdreg $0x60  }
0xae: {  	[dreg:$0x2] =	wrdreg s2  }
0xaf: {  	[dreg:$0x3] =	wrdreg s24  }
0xb0: {  	[dreg:$0x4] =	wrdreg $0x90000  }
0xb1: {  	[dreg:$0x5] =	wrdreg $0x9  }
0xb2: {  	_ =	task.clear_ibuf [dreg:s7], $0x6FFFF;
	_ =	strace $0x90000049  }
0xb3: {  	s29 =	simm.s32 $0x9;
	_ =	strace $0x8000004B  }
0xb4: {  	_ =	swait.ge [sflag:s29], $0x1  }
0xb5: {  	[sflag:s29] =	ssyncadd.s32 $0xFFFFFFFF  }
0xb6: {  	_ =	strace $0x9000004B  }
0xb7: {  	_ =	sfence  }
0xb8: {  	s30 =	sld [smem:$0x0];
	_ =	sdelay $0x2  }
0xb9: {  	s31 =	sshll.u32 s1, $0xD;
	s1 =	sshrl.u32 s1, $0x2  }
0xba: {  	s3 =	sand.u32 $0x4000, s31;
	s1 =	sadd.s32 s1, s30  }
0xbb: {  	s0 =	sor.u32 s3, s0;
	s1 =	sshll.u32 s1, $0x11  }
0xbc: {  	s0 =	sor.u32 s1, s0  }
0xbd: {  	s0 =	sadd.s32 $0x8F2B, s0  }
0xbe: {  	[sflag:s0] =	ssyncadd.remote.s32 $0x1  }
0xbf: {  	_ =	sfence.sel $0xFFFF  }
0xc0: {  	[dreg:$0x0] =	wrdreg $0xFFFFFFFF;
	(pc) =	sbr.abs _section_cstart, $3  }
0xc1: {  	[dreg:$0x1] =	wrdreg $0xFFFFFFFF  }
0xc2: {  	_ =	task.clear_ibuf [dreg:s7], $0x2FFFF;
	_ =	strace $0x9FFFFFFF  }
0xc3: {  	(tm) =	ssettm $0x7FFFFFFF  }
tec
execute0_lowered:
.L_overlay_start_1:
0x0: {  	(tag) =	ssettag $0x1  }
0x1: {  	s1 =	rddreg [dreg:$0x0]  }
0x2: {  	s0 =	srdreg.scid;
	s7 =	rddreg [dreg:$0x1]  }
0x3: {  	s3 =	rddreg [dreg:$0x2];
	s4 =	simm.s32 $0x0;
	s14 =	simm.s32 $0x5  }
0x4: {  	s15 =	simm.s32 $0x2800;
	s16 =	simm.s32 $0x80;
	s17 =	simm.s32 $0x5000  }
0x5: {  	s18 =	simm.s32 $0x7000;
	s19 =	simm.s32 $0x1;
	s20 =	simm.s32 $0x3  }
0x6: {  	s21 =	simm.s32 $0x2;
	s22 =	simm.s32 $0x4;
	s24 =	simm.s32 $0x0  }
0x7: {  	s6 =	sand.u32 $0x1, s0;
	s0 =	stileid.u32;
	[smem:$0x7FF] =	sst s4  }
0x8: {  	s11 =	sadd.s32 $0x16400, s7;
	s23 =	sadd.s32 $0x96000, s3;
	s10 =	smul.u32 $0xA000, s0  }
0x9: {  	s2 =	sshll.u32 s6, $0x4;
	s8 =	ssub.s32 $0x2, s6;
	s12 =	smul.u32 $0x9C400, s6  }
0xa: {  	s31 =	sshll.u32 s0, $0x6;
	p0 =	seq.s32 s0, $0xF;
	s5 =	sor.u32 s0, s2  }
0xb: {  	s2 =	rddreg [dreg:$0x3];
	_ =	strace $0x8000004A;
	s30 =	sshrl.u32 s8, $0x1  }
0xc: {  	s23 =	sshrl.u32 @p0 s23, $0x3;
	s5 =	smul.u32 $0x500, s5;
	s6 =	sadd.s32 s10, s3  }
.Ltmp0:
0xd: {  	s10 =	sadd.s32 s10, s12;
	s12 =	sshrl.u32 s12, $0x3;
	(pc) =	sbr.rel .LBB2_1-.Ltmp0, $4  }
0xe: {  	s13 =	ssub.s32 s8, s30;
	s10 =	sshrl.u32 s10, $0x3;
	s12 =	sadd.s32 s11, s12  }
0xf: {  	s9 =	sadd.s32 s5, s7;
	s5 =	sadd.s32 $0x15000, s7;
	s7 =	sor.u32 $0x1C05, s31  }
0x10: {  	s10 =	sadd.s32 s11, s10;
	s11 =	sadd.s32 $0x12C00, s12;
	s12 =	smax.u32 s13, $0x1  }
0x11: {  	s13 =	sshrl.u32 s6, $0x3;
	s8 =	sadd.s32 $0x1000, s9;
	s9 =	sadd.s32 $0xB000, s9  }
.LBB2_4:
0x12: {  	_ =	swait.ge [sflag:s21], $0x2000  }
0x13: {  	[sflag:s21] =	ssyncset.done $0x0  }
0x14: {  	[sflag:s21] =	ssyncadd.s32 $0xFFFFE000  }
0x15: {  	[spmem:s3] =	stream.indirect.scatter.add.f32 [tilespmem:s18], [sflag:$0x4], $0x40, s28, s16, $0xb8;
	[tilespmem:$0x13000] =	vst v63  }
0x16: {  	_ =	swait.ge [sflag:s22], $0x2000  }
0x17: {  	[sflag:s22] =	ssyncset.done $0x0  }
0x18: {  	[sflag:s22] =	ssyncadd.s32 $0xFFFFE000  }
0x19: {  	s25 =	simm.s32 @p0 $0x5;
	[bflag:$0x0] =	sbarrier.arrive $0xFFFF  }
0x1a: {  	[hbm:s11], [sflag:s7] =	dma.local @p0 [spmem:s23], $0xC80  }
0x1b: {  	_ =	swait.ge @p0 [sflag:s25], $0xC80  }
0x1c: {  	s24 =	sadd.s32 $0x1, s24;
	[sflag:s25] =	ssyncset.done @p0 $0x0  }
0x1d: {  	p1 =	sne.s32 s24, s12;
	[sflag:s25] =	ssyncadd.s32 @p0 $0xFFFFF380;
	s25 =	sshrl.u32 @!p0 s6, $0x3  }
0x1e: {  	[hbm:s10], [sflag:s7] =	dma.local @!p0 [spmem:s25], $0x1400  }
.Ltmp1:
0x1f: {  	_ = 	snop;
	(pc) =	sbr.rel @!p1 .LBB2_5-.Ltmp1, $4  }
0x20: {  	s25 =	simm.s32 @!p0 $0x5  }
0x21: {  	_ =	swait.ge @!p0 [sflag:s25], $0x1400  }
0x22: {  	[sflag:s25] =	ssyncset.done @!p0 $0x0  }
0x23: {  	[sflag:s25] =	ssyncadd.s32 @!p0 $0xFFFFEC00  }
.LBB2_1:
0x24: {  	[spmem:s13], [sflag:s7] =	dma.local [hbm:s5], $0x1400  }
0x25: {  	_ =	swait.ge [sflag:s14], $0x1400  }
0x26: {  	[sflag:s14] =	ssyncset.done $0x0  }
0x27: {  	[sflag:s14] =	ssyncadd.s32 $0xFFFFEC00  }
0x28: {  	[tilespmem:s4], [sflag:$0x5] =	stream.linear.gather [hbm4b:s8+s4], $0x2800, $0x38;
	[tilespmem:$0x13000] =	vst v63  }
0x29: {  	_ =	swait.ge [sflag:s14], $0x2800  }
0x2a: {  	[sflag:s14] =	ssyncset.done $0x0  }
0x2b: {  	[sflag:s14] =	ssyncadd.s32 $0xFFFFD800  }
0x2c: {  	[tilespmem:s15], [sflag:$0x5] =	stream.linear.gather [hbm4b:s9+s4], $0x2800, $0x38;
	[tilespmem:$0x13000] =	vst v63  }
0x2d: {  	_ =	swait.ge [sflag:s14], $0x2800  }
0x2e: {  	[sflag:s14] =	ssyncset.done $0x0  }
0x2f: {  	[sflag:s14] =	ssyncadd.s32 $0xFFFFD800  }
0x30: {  	[bflag:$0x0] =	sbarrier.arrive $0xFFFF  }
0x31: {  	[tilespmem:s17], [sflag:$0x1] =	stream.indirect.gather [hbm4b:s1+s16], $0x40, s4, s16, $0xb8;
	[tilespmem:$0x13000] =	vst v63  }
0x32: {  	s25 =	simm.s32 $0x0  }
0x33: {  	[tilespmem:s18], [sflag:$0x2] =	stream.indirect.gather [hbm4b:s1+s16], $0x40, s16, s16, $0xb8;
	[tilespmem:$0x13000] =	vst v63  }
.LBB2_2:
0x34: {  	_ =	swait.ge [sflag:s19], $0x2000  }
0x35: {  	s26 =	sshra.s32 s25, $0x2;
	[sflag:s19] =	ssyncset.done $0x0  }
0x36: {  	s28 =	sadd.s32 $0x2800, s26;
	[sflag:s19] =	ssyncadd.s32 $0xFFFFE000  }
0x37: {  	[spmem:s3] =	stream.indirect.scatter.add.f32 [tilespmem:s17], [sflag:$0x3], $0x40, s28, s16, $0xb8;
	[tilespmem:$0x13000] =	vst v63  }
0x38: {  	_ =	swait.ge [sflag:s20], $0x2000  }
0x39: {  	[sflag:s20] =	ssyncset.done $0x0  }
0x3a: {  	s28 =	sadd.s32 $0x100, s26;
	[sflag:s20] =	ssyncadd.s32 $0xFFFFE000  }
0x3b: {  	[tilespmem:s17], [sflag:$0x1] =	stream.indirect.gather [hbm4b:s1+s16], $0x40, s28, s16, $0xb8;
	[tilespmem:$0x13000] =	vst v63  }
0x3c: {  	_ =	swait.ge [sflag:s21], $0x2000  }
0x3d: {  	[sflag:s21] =	ssyncset.done $0x0  }
0x3e: {  	s28 =	sadd.s32 $0x2880, s26;
	[sflag:s21] =	ssyncadd.s32 $0xFFFFE000  }
0x3f: {  	[spmem:s3] =	stream.indirect.scatter.add.f32 [tilespmem:s18], [sflag:$0x4], $0x40, s28, s16, $0xb8;
	[tilespmem:$0x13000] =	vst v63  }
0x40: {  	_ =	swait.ge [sflag:s22], $0x2000  }
0x41: {  	[sflag:s22] =	ssyncset.done $0x0  }
0x42: {  	s28 =	sadd.s32 $0x180, s26;
	[sflag:s22] =	ssyncadd.s32 $0xFFFFE000  }
0x43: {  	[tilespmem:s18], [sflag:$0x2] =	stream.indirect.gather [hbm4b:s1+s16], $0x40, s28, s16, $0xb8;
	[tilespmem:$0x13000] =	vst v63  }
0x44: {  	_ =	swait.ge [sflag:s19], $0x2000  }
0x45: {  	[sflag:s19] =	ssyncset.done $0x0  }
0x46: {  	s28 =	sadd.s32 $0x2900, s26;
	[sflag:s19] =	ssyncadd.s32 $0xFFFFE000  }
0x47: {  	[spmem:s3] =	stream.indirect.scatter.add.f32 [tilespmem:s17], [sflag:$0x3], $0x40, s28, s16, $0xb8;
	[tilespmem:$0x13000] =	vst v63  }
0x48: {  	_ =	swait.ge [sflag:s20], $0x2000  }
0x49: {  	[sflag:s20] =	ssyncset.done $0x0  }
0x4a: {  	s28 =	sadd.s32 $0x200, s26;
	[sflag:s20] =	ssyncadd.s32 $0xFFFFE000  }
0x4b: {  	[tilespmem:s17], [sflag:$0x1] =	stream.indirect.gather [hbm4b:s1+s16], $0x40, s28, s16, $0xb8;
	[tilespmem:$0x13000] =	vst v63  }
0x4c: {  	_ =	swait.ge [sflag:s21], $0x2000  }
0x4d: {  	[sflag:s21] =	ssyncset.done $0x0  }
0x4e: {  	s28 =	sadd.s32 $0x2980, s26;
	[sflag:s21] =	ssyncadd.s32 $0xFFFFE000  }
0x4f: {  	[spmem:s3] =	stream.indirect.scatter.add.f32 [tilespmem:s18], [sflag:$0x4], $0x40, s28, s16, $0xb8;
	[tilespmem:$0x13000] =	vst v63  }
0x50: {  	_ =	swait.ge [sflag:s22], $0x2000  }
0x51: {  	[sflag:s22] =	ssyncset.done $0x0  }
0x52: {  	s28 =	sadd.s32 $0x280, s26;
	[sflag:s22] =	ssyncadd.s32 $0xFFFFE000  }
0x53: {  	[tilespmem:s18], [sflag:$0x2] =	stream.indirect.gather [hbm4b:s1+s16], $0x40, s28, s16, $0xb8;
	[tilespmem:$0x13000] =	vst v63  }
0x54: {  	_ =	swait.ge [sflag:s19], $0x2000  }
0x55: {  	[sflag:s19] =	ssyncset.done $0x0  }
0x56: {  	s28 =	sadd.s32 $0x2A00, s26;
	[sflag:s19] =	ssyncadd.s32 $0xFFFFE000  }
0x57: {  	[spmem:s3] =	stream.indirect.scatter.add.f32 [tilespmem:s17], [sflag:$0x3], $0x40, s28, s16, $0xb8;
	[tilespmem:$0x13000] =	vst v63  }
0x58: {  	_ =	swait.ge [sflag:s20], $0x2000  }
0x59: {  	[sflag:s20] =	ssyncset.done $0x0  }
0x5a: {  	s28 =	sadd.s32 $0x300, s26;
	[sflag:s20] =	ssyncadd.s32 $0xFFFFE000  }
0x5b: {  	[tilespmem:s17], [sflag:$0x1] =	stream.indirect.gather [hbm4b:s1+s16], $0x40, s28, s16, $0xb8;
	[tilespmem:$0x13000] =	vst v63  }
0x5c: {  	_ =	swait.ge [sflag:s21], $0x2000  }
0x5d: {  	[sflag:s21] =	ssyncset.done $0x0  }
0x5e: {  	s28 =	sadd.s32 $0x2A80, s26;
	[sflag:s21] =	ssyncadd.s32 $0xFFFFE000  }
0x5f: {  	[spmem:s3] =	stream.indirect.scatter.add.f32 [tilespmem:s18], [sflag:$0x4], $0x40, s28, s16, $0xb8;
	[tilespmem:$0x13000] =	vst v63  }
0x60: {  	_ =	swait.ge [sflag:s22], $0x2000  }
0x61: {  	[sflag:s22] =	ssyncset.done $0x0  }
0x62: {  	s28 =	sadd.s32 $0x380, s26;
	[sflag:s22] =	ssyncadd.s32 $0xFFFFE000  }
0x63: {  	[tilespmem:s18], [sflag:$0x2] =	stream.indirect.gather [hbm4b:s1+s16], $0x40, s28, s16, $0xb8;
	[tilespmem:$0x13000] =	vst v63  }
0x64: {  	_ =	swait.ge [sflag:s19], $0x2000  }
0x65: {  	p1 =	seq.s32 s25, $0x9000;
	[sflag:s19] =	ssyncset.done $0x0  }
.Ltmp2:
0x66: {  	s28 =	sadd.s32 $0x2B00, s26;
	[sflag:s19] =	ssyncadd.s32 $0xFFFFE000;
	(pc) =	sbr.rel @p1 .LBB2_4-.Ltmp2, $4  }
0x67: {  	[spmem:s3] =	stream.indirect.scatter.add.f32 [tilespmem:s17], [sflag:$0x3], $0x40, s28, s16, $0xb8;
	[tilespmem:$0x13000] =	vst v63  }
0x68: {  	_ =	swait.ge [sflag:s20], $0x2000  }
0x69: {  	[sflag:s20] =	ssyncset.done $0x0  }
0x6a: {  	s28 =	sadd.s32 $0x2B80, s26;
	[sflag:s20] =	ssyncadd.s32 $0xFFFFE000  }
0x6b: {  	s29 =	sadd.s32 $0x400, s26  }
0x6c: {  	[tilespmem:s17], [sflag:$0x1] =	stream.indirect.gather [hbm4b:s1+s16], $0x40, s29, s16, $0xb8;
	[tilespmem:$0x13000] =	vst v63  }
0x6d: {  	_ =	swait.ge [sflag:s21], $0x2000  }
0x6e: {  	[sflag:s21] =	ssyncset.done $0x0  }
0x6f: {  	[sflag:s21] =	ssyncadd.s32 $0xFFFFE000  }
0x70: {  	[spmem:s3] =	stream.indirect.scatter.add.f32 [tilespmem:s18], [sflag:$0x4], $0x40, s28, s16, $0xb8;
	[tilespmem:$0x13000] =	vst v63  }
.Ltmp3:
0x71: {  	_ = 	snop;
	(pc) =	sbr.rel .LBB2_2-.Ltmp3, $4  }
0x72: {  	_ =	swait.ge [sflag:s22], $0x2000  }
0x73: {  	[sflag:s22] =	ssyncset.done $0x0  }
0x74: {  	s31 =	sadd.s32 $0x480, s26;
	s25 =	sadd.s32 $0x1000, s25;
	[sflag:s22] =	ssyncadd.s32 $0xFFFFE000  }
0x75: {  	[tilespmem:s18], [sflag:$0x2] =	stream.indirect.gather [hbm4b:s1+s16], $0x40, s31, s16, $0xb8;
	[tilespmem:$0x13000] =	vst v63  }
.LBB2_5:
0x76: {  	_ =	sfence.sel $0x180000  }
0x77: {  	[bflag:$0x0] =	sbarrier.arrive $0xFFFF  }
0x78: {  	p0 =	sne.s32 s0, $0x0;
	_ =	strace $0x9000004A  }
0x79: {  	s0 =	sadd.s32 @!p0 $0x100000, s2;
	[bflag:$0x2] =	sbarrier.arrive $0xFFFF  }
0x7a: {  	[sflag:s0] =	ssyncadd.tile.s32 @!p0 $0x1;
	_ =	shalt  }
.Lfunc_end2:
_tile_overlayer_lowered:
.L_overlay_start_2:
0x7b: {  	(tag) =	ssettag $0x2  }
0x7c: {  	s0 =	rddreg [dreg:$0x0];
	s2 =	stileid.u32  }
0x7d: {  	s1 =	rddreg [dreg:$0x1];
	p0 =	sne.s32 s2, $0x0  }
0x7e: {  	s3 =	rddreg [dreg:$0x2];
	[bflag:$0x3] =	sbarrier.arrive $0xFFFF;
	s2 =	simm.s32 @!p0 $0x1C05  }
0x7f: {  	[timem:s3], [sflag:s2] =	dma.local @!p0 [hbm:s0], s1  }
0x80: {  	s0 =	simm.s32 @!p0 $0x5  }
0x81: {  	_ =	swait.ge @!p0 [sflag:s0], s1  }
0x82: {  	s1 =	ssub.s32 @!p0 $0x0, s1;
	[sflag:s0] =	ssyncset.done @!p0 $0x0  }
0x83: {  	[sflag:s0] =	ssyncadd.s32 @!p0 s1  }
0x84: {  	[bflag:$0x3] =	sbarrier.arrive $0xFFFF  }
0x85: {  	_ =	shalt  }

</sc_bundles>
